<compile_context>
chip_gen: v7x
topology: tpu7x:2x2x1
jax: 0.10.2.dev20260603
libtpu: 0.0.44.dev20260713+nightly
codegen_flags: <defaults>
</compile_context>

<pallas_src>
import functools

import jax
import jax.numpy as jnp
from jax import lax
from jax.experimental import pallas as pl
from jax.experimental.pallas import tpu as pltpu
from jax.experimental.pallas import tpu_sc as plsc

LANES = 16
CHUNK = 8
SC_ROWS = 8192
TC_BR = 256


@functools.lru_cache(maxsize=None)
def _build_sc_kernel(B, D, n_workers):
    rows_per_w = B // n_workers
    n_chunks = rows_per_w // CHUNK
    n_outer = n_chunks // 2

    mesh = plsc.VectorSubcoreMesh(core_axis_name="c", subcore_axis_name="s")

    @functools.partial(
        pl.kernel,
        mesh=mesh,
        out_type=jax.ShapeDtypeStruct((n_workers, LANES), jnp.float32),
        scratch_types=[
            pltpu.VMEM((2, CHUNK, D), jnp.float32),
            pltpu.VMEM((2, CHUNK, D), jnp.float32),
            pltpu.VMEM((rows_per_w,), jnp.int32),
            pltpu.VMEM((LANES,), jnp.float32),
            pltpu.SemaphoreType.DMA,
            pltpu.SemaphoreType.DMA,
            pltpu.SemaphoreType.DMA,
            pltpu.SemaphoreType.DMA,
        ],
    )
    def sc_fn(x_hbm, t_hbm, cent_hbm, out_hbm,
              x_bufs, c_bufs, idx_all, acc_v, sx0, sx1, sc0, sc1):
        nc = 2
        wid = lax.axis_index("s") * nc + lax.axis_index("c")
        row0 = wid * rows_per_w

        pltpu.sync_copy(t_hbm.at[pl.ds(row0, rows_per_w)], idx_all)

        sx = (sx0, sx1)
        sc = (sc0, sc1)

        def start(chunk, buf):
            pltpu.async_copy(
                x_hbm.at[pl.ds(row0 + chunk * CHUNK, CHUNK)],
                x_bufs.at[buf], sx[buf])
            pltpu.async_copy(
                cent_hbm.at[idx_all.at[pl.ds(chunk * CHUNK, CHUNK)]],
                c_bufs.at[buf], sc[buf])

        def wait(chunk, buf):
            pltpu.make_async_copy(
                x_hbm.at[pl.ds(row0, CHUNK)], x_bufs.at[buf], sx[buf]).wait()
            pltpu.make_async_copy(
                cent_hbm.at[idx_all.at[pl.ds(chunk * CHUNK, CHUNK)]],
                c_bufs.at[buf], sc[buf]).wait()

        def accumulate(buf, accs):
            def body(j, accs):
                o = j * LANES
                new = []
                for r in range(CHUNK):
                    d = (x_bufs[buf, r, pl.ds(o, LANES)]
                         - c_bufs[buf, r, pl.ds(o, LANES)])
                    new.append(accs[r] + d * d)
                return tuple(new)
            return lax.fori_loop(0, D // LANES, body, accs)

        zero = jnp.zeros((LANES,), jnp.float32)
        accs0 = (zero,) * CHUNK

        start(0, 0)

        def outer(g, accs):
            ca = 2 * g
            cb = ca + 1
            start(cb, 1)
            wait(ca, 0)
            accs = accumulate(0, accs)

            @pl.when(g < n_outer - 1)
            def _():
                start(ca + 2, 0)

            wait(cb, 1)
            accs = accumulate(1, accs)
            return accs

        accs = lax.fori_loop(0, n_outer, outer, accs0)

        total = accs[0]
        for r in range(1, CHUNK):
            total = total + accs[r]
        acc_v[...] = total
        pltpu.sync_copy(acc_v, out_hbm.at[wid])

    return sc_fn


@functools.lru_cache(maxsize=None)
def _build_tc_kernel(B, D, C, block_off, n_blocks):
    UNROLL = 16

    def body(t_ref, x_ref, c_hbm, out_ref, c_vmem, sem):
        i = pl.program_id(0)

        @pl.when(i == 0)
        def _():
            pltpu.make_async_copy(c_hbm, c_vmem, sem).start()
            pltpu.make_async_copy(c_hbm, c_vmem, sem).wait()
            out_ref[...] = jnp.zeros_like(out_ref)

        def rows(j, accs):
            accs = list(accs)
            ts = [t_ref[j * UNROLL + u] for u in range(UNROLL)]
            for u in range(UNROLL):
                r = j * UNROLL + u
                x = x_ref[pl.ds(r, 1), :]
                c = c_vmem[pl.ds(ts[u], 1), :]
                d = x - c
                accs[u % 4] = accs[u % 4] + d * d
            return tuple(accs)

        zero = jnp.zeros((1, D), jnp.float32)
        a0, a1, a2, a3 = lax.fori_loop(
            0, TC_BR // UNROLL, rows, (zero, zero, zero, zero))
        out_ref[...] += (a0 + a1) + (a2 + a3)

    return pl.pallas_call(
        body,
        grid=(n_blocks,),
        in_specs=[
            pl.BlockSpec((TC_BR,), lambda i: (i + block_off,),
                         memory_space=pltpu.SMEM),
            pl.BlockSpec((TC_BR, D), lambda i: (i + block_off, 0)),
            pl.BlockSpec(memory_space=pl.ANY),
        ],
        out_specs=pl.BlockSpec((1, D), lambda i: (0, 0)),
        out_shape=jax.ShapeDtypeStruct((1, D), jnp.float32),
        scratch_shapes=[
            pltpu.VMEM((C, D), jnp.float32),
            pltpu.SemaphoreType.DMA,
        ],
    )


def kernel(inputs, targets, centers):
    B, D = inputs.shape
    C = centers.shape[0]
    t32 = targets.astype(jnp.int32)
    info = plsc.get_sparse_core_info()
    n_workers = info.num_cores * info.num_subcores

    b_sc = SC_ROWS
    b_tc = B - b_sc

    sc_part = _build_sc_kernel(b_sc, D, n_workers)(inputs, t32, centers)
    tc_part = _build_tc_kernel(B, D, C, b_sc // TC_BR, b_tc // TC_BR)(
        t32, inputs, centers)

    return (jnp.sum(sc_part) + jnp.sum(tc_part)) / B

# --- scband reference (transcript-rebuilt; emitter-appended) ---
"""Pipeline reference for scband-center-linear-16733192585436 (READ-ONLY COPY).

The authoritative reference and input builder live on the scoring server;
editing this copy changes nothing except your own understanding.
"""

import jax, jax.numpy as jnp
import numpy as np
import math

NUM_CLASSES = 2048
FEAT_DIM = 2048
BATCH = 16384


def setup_inputs(seed: int = 0) -> dict:
    key = jax.random.key(seed)
    k1, k2, k3 = jax.random.split(key, 3)
    inputs = jax.random.normal(k1, (BATCH, FEAT_DIM), dtype=jnp.float32)
    targets = jax.random.randint(k2, (BATCH,), 0, FEAT_DIM, dtype=jnp.int64 if jax.config.jax_enable_x64 else jnp.int32)
    # Xavier-uniform init for centers of shape (feat_dim, num_classes)
    bound = math.sqrt(6.0 / (FEAT_DIM + NUM_CLASSES))
    centers = jax.random.uniform(k3, (FEAT_DIM, NUM_CLASSES), dtype=jnp.float32, minval=-bound, maxval=bound)
    return {"inputs": inputs, "targets": targets, "centers": centers}


def reference(inputs, targets, centers):
    # Faithful translation of CenterLinear.forward:
    #   cyi = centers[targets]  (row gather from the centers table)
    #   loss = ||inputs - cyi||_F^2 / b   (Frobenius norm squared, mean over batch)
    b = inputs.shape[0]
    cyi = jnp.take(centers, targets, axis=0)
    diff = inputs - cyi
    return jnp.power(jnp.linalg.norm(diff), 2) / b

if __name__ == "__main__":
    import jax
    _d = setup_inputs()
    print(jax.jit(kernel)(*tuple(_d.values())))

</pallas_src>

<mosaic_0001>
#map = affine_map<(d0, d1) -> (0, 0)>
#map1 = affine_map<(d0, d1) -> (0)>
module attributes {stable_mosaic.version = 14 : i64} {
  func.func @sc_fn(%arg0: i32, %arg1: i32, %arg2: memref<16384x2048xf32, #tpu.memory_space<hbm>>, %arg3: memref<16384xi32, #tpu.memory_space<hbm>>, %arg4: memref<2048x2048xf32, #tpu.memory_space<hbm>>, %arg5: memref<32x16xf32, #tpu.memory_space<hbm>>, %arg6: memref<2x8x2048xf32, #tpu.memory_space<vmem>>, %arg7: memref<2x8x2048xf32, #tpu.memory_space<vmem>>, %arg8: memref<256xi32, #tpu.memory_space<vmem>>, %arg9: memref<16xf32, #tpu.memory_space<vmem>>, %arg10: memref<!tpu.dma_semaphore, #tpu.memory_space<semaphore_mem>>, %arg11: memref<!tpu.dma_semaphore, #tpu.memory_space<semaphore_mem>>, %arg12: memref<!tpu.dma_semaphore, #tpu.memory_space<semaphore_mem>>, %arg13: memref<!tpu.dma_semaphore, #tpu.memory_space<semaphore_mem>>) attributes {dimension_semantics = [#tpu.dimension_semantics<core_parallel>, #tpu.dimension_semantics<subcore_parallel>], iteration_bounds = array<i64: 2, 16>, scalar_prefetch = 0 : i64, scratch_operands = 8 : i64, tpu.core_type = #tpu.core_type<sc_vector_subcore>, window_params = [{transform_indices = #map}, {transform_indices = #map1}, {transform_indices = #map}, {transform_indices = #map}]} {
    %mul3A = arith.constant 2 : i32
    %mul3A_0 = arith.muli %arg1, %mul3A : i32
    %add3A = arith.addi %mul3A_0, %arg0 : i32
    %mul3A_1 = arith.constant 256 : i32
    %mul3A_2 = arith.muli %add3A, %mul3A_1 : i32
    "tpu.region"() ({
      %run_scoped3A = tpu.sem_alloc : memref<!tpu.dma_semaphore, #tpu.memory_space<semaphore_mem>>
      %dma_start3A_43 = tpu.memref_slice %arg3[%mul3A_2] : memref<16384xi32, #tpu.memory_space<hbm>> -> memref<256xi32, #tpu.memory_space<hbm>>
      %dma_start3A_44 = tpu.memref_slice %arg3[%mul3A_2] : memref<16384xi32, #tpu.memory_space<hbm>> -> memref<256xi32, #tpu.memory_space<hbm>>
      tpu.enqueue_dma source(%dma_start3A_44 : memref<256xi32, #tpu.memory_space<hbm>>) target(%arg8 : memref<256xi32, #tpu.memory_space<vmem>>) target_semaphore(%run_scoped3A : memref<!tpu.dma_semaphore, #tpu.memory_space<semaphore_mem>>)
      %dma_wait3A = tpu.memref_slice %arg3[%mul3A_2] : memref<16384xi32, #tpu.memory_space<hbm>> -> memref<256xi32, #tpu.memory_space<hbm>>
      %dma_wait3A_45 = tpu.memref_slice %arg3[%mul3A_2] : memref<16384xi32, #tpu.memory_space<hbm>> -> memref<256xi32, #tpu.memory_space<hbm>>
      tpu.wait_dma2 semaphore(%run_scoped3A : memref<!tpu.dma_semaphore, #tpu.memory_space<semaphore_mem>>) src(%dma_wait3A_45 : memref<256xi32, #tpu.memory_space<hbm>>) dst(%arg8 : memref<256xi32, #tpu.memory_space<vmem>>)
      tpu.yield
    }) : () -> ()
    %broadcast_in_dim3A = arith.constant 0.000000e+00 : f32
    %broadcast_in_dim3A_3 = vector.broadcast %broadcast_in_dim3A : f32 to vector<16xf32>
    %add3A_4 = arith.constant 0 : i32
    %add3A_5 = arith.addi %mul3A_2, %add3A_4 : i32
    %dma_start3A = arith.constant 0 : i32
    %dma_start3A_6 = arith.constant 0 : i32
    %dma_start3A_7 = arith.constant 0 : i32
    %dma_start3A_8 = tpu.memref_slice %arg6[%dma_start3A, %dma_start3A_6, %dma_start3A_7] : memref<2x8x2048xf32, #tpu.memory_space<vmem>> -> memref<1x8x2048xf32, #tpu.memory_space<vmem>>
    %dma_start3A_9 = tpu.memref_squeeze %dma_start3A_8 : memref<1x8x2048xf32, #tpu.memory_space<vmem>> -> memref<8x2048xf32, #tpu.memory_space<vmem>>
    %dma_start3A_10 = arith.constant 0 : i32
    %dma_start3A_11 = tpu.memref_slice %arg2[%add3A_5, %dma_start3A_10] : memref<16384x2048xf32, #tpu.memory_space<hbm>> -> memref<8x2048xf32, #tpu.memory_space<hbm>>
    %dma_start3A_12 = arith.constant 0 : i32
    %dma_start3A_13 = arith.constant 0 : i32
    %dma_start3A_14 = tpu.memref_slice %arg6[%dma_start3A, %dma_start3A_12, %dma_start3A_13] : memref<2x8x2048xf32, #tpu.memory_space<vmem>> -> memref<1x8x2048xf32, #tpu.memory_space<vmem>>
    %dma_start3A_15 = tpu.memref_squeeze %dma_start3A_14 : memref<1x8x2048xf32, #tpu.memory_space<vmem>> -> memref<8x2048xf32, #tpu.memory_space<vmem>>
    %dma_start3A_16 = arith.constant 0 : i32
    %dma_start3A_17 = tpu.memref_slice %arg2[%add3A_5, %dma_start3A_16] : memref<16384x2048xf32, #tpu.memory_space<hbm>> -> memref<8x2048xf32, #tpu.memory_space<hbm>>
    tpu.enqueue_dma source(%dma_start3A_17 : memref<8x2048xf32, #tpu.memory_space<hbm>>) target(%dma_start3A_15 : memref<8x2048xf32, #tpu.memory_space<vmem>>) target_semaphore(%arg10 : memref<!tpu.dma_semaphore, #tpu.memory_space<semaphore_mem>>)
    %dma_start3A_18 = arith.constant 0 : i32
    %dma_start3A_19 = arith.constant 0 : i32
    %dma_start3A_20 = arith.constant 0 : i32
    %dma_start3A_21 = tpu.memref_slice %arg7[%dma_start3A_18, %dma_start3A_19, %dma_start3A_20] : memref<2x8x2048xf32, #tpu.memory_space<vmem>> -> memref<1x8x2048xf32, #tpu.memory_space<vmem>>
    %dma_start3A_22 = tpu.memref_squeeze %dma_start3A_21 : memref<1x8x2048xf32, #tpu.memory_space<vmem>> -> memref<8x2048xf32, #tpu.memory_space<vmem>>
    %dma_start3A_23 = arith.constant 0 : i32
    %dma_start3A_24 = tpu.memref_slice %arg8[%dma_start3A_23] : memref<256xi32, #tpu.memory_space<vmem>> -> memref<8xi32, #tpu.memory_space<vmem>>
    %dma_start3A_25 = arith.constant 0 : i32
    %dma_start3A_26 = arith.constant 0 : i32
    %dma_start3A_27 = tpu.memref_slice %arg4[%dma_start3A_25, %dma_start3A_26] : memref<2048x2048xf32, #tpu.memory_space<hbm>> -> memref<2048x2048xf32, #tpu.memory_space<hbm>>
    tpu.enqueue_indirect_dma source(%dma_start3A_27 : memref<2048x2048xf32, #tpu.memory_space<hbm>>) target(%dma_start3A_22 : memref<8x2048xf32, #tpu.memory_space<vmem>>) offsets(%dma_start3A_24 : memref<8xi32, #tpu.memory_space<vmem>>) semaphore(%arg12 : memref<!tpu.dma_semaphore, #tpu.memory_space<semaphore_mem>>)
    %scan3A = arith.constant 0 : i32
    %scan3A_28 = arith.constant 16 : i32
    %scan3A_29 = arith.addi %scan3A, %scan3A_28 : i32
    %scan3A_30 = arith.constant 1 : i32
    %scan3A_31:8 = scf.for %scan3A_43 = %scan3A to %scan3A_29 step %scan3A_30 iter_args(%scan3A_44 = %broadcast_in_dim3A_3, %scan3A_45 = %broadcast_in_dim3A_3, %scan3A_46 = %broadcast_in_dim3A_3, %scan3A_47 = %broadcast_in_dim3A_3, %scan3A_48 = %broadcast_in_dim3A_3, %scan3A_49 = %broadcast_in_dim3A_3, %scan3A_50 = %broadcast_in_dim3A_3, %scan3A_51 = %broadcast_in_dim3A_3) -> (vector<16xf32>, vector<16xf32>, vector<16xf32>, vector<16xf32>, vector<16xf32>, vector<16xf32>, vector<16xf32>, vector<16xf32>)  : i32 {
      %mul3A_52 = arith.constant 2 : i32
      %mul3A_53 = arith.muli %mul3A_52, %scan3A_43 : i32
      %add3A_54 = arith.constant 1 : i32
      %add3A_55 = arith.addi %mul3A_53, %add3A_54 : i32
      %mul3A_56 = arith.constant 8 : i32
      %mul3A_57 = arith.muli %add3A_55, %mul3A_56 : i32
      %add3A_58 = arith.addi %mul3A_2, %mul3A_57 : i32
      %dma_start3A_59 = arith.constant 1 : i32
      %dma_start3A_60 = arith.constant 0 : i32
      %dma_start3A_61 = arith.constant 0 : i32
      %dma_start3A_62 = tpu.memref_slice %arg6[%dma_start3A_59, %dma_start3A_60, %dma_start3A_61] : memref<2x8x2048xf32, #tpu.memory_space<vmem>> -> memref<1x8x2048xf32, #tpu.memory_space<vmem>>
      %dma_start3A_63 = tpu.memref_squeeze %dma_start3A_62 : memref<1x8x2048xf32, #tpu.memory_space<vmem>> -> memref<8x2048xf32, #tpu.memory_space<vmem>>
      %dma_start3A_64 = arith.constant 0 : i32
      %dma_start3A_65 = tpu.memref_slice %arg2[%add3A_58, %dma_start3A_64] : memref<16384x2048xf32, #tpu.memory_space<hbm>> -> memref<8x2048xf32, #tpu.memory_space<hbm>>
      %dma_start3A_66 = arith.constant 0 : i32
      %dma_start3A_67 = arith.constant 0 : i32
      %dma_start3A_68 = tpu.memref_slice %arg6[%dma_start3A_59, %dma_start3A_66, %dma_start3A_67] : memref<2x8x2048xf32, #tpu.memory_space<vmem>> -> memref<1x8x2048xf32, #tpu.memory_space<vmem>>
      %dma_start3A_69 = tpu.memref_squeeze %dma_start3A_68 : memref<1x8x2048xf32, #tpu.memory_space<vmem>> -> memref<8x2048xf32, #tpu.memory_space<vmem>>
      %dma_start3A_70 = arith.constant 0 : i32
      %dma_start3A_71 = tpu.memref_slice %arg2[%add3A_58, %dma_start3A_70] : memref<16384x2048xf32, #tpu.memory_space<hbm>> -> memref<8x2048xf32, #tpu.memory_space<hbm>>
      tpu.enqueue_dma source(%dma_start3A_71 : memref<8x2048xf32, #tpu.memory_space<hbm>>) target(%dma_start3A_69 : memref<8x2048xf32, #tpu.memory_space<vmem>>) target_semaphore(%arg11 : memref<!tpu.dma_semaphore, #tpu.memory_space<semaphore_mem>>)
      %mul3A_72 = arith.constant 8 : i32
      %mul3A_73 = arith.muli %add3A_55, %mul3A_72 : i32
      %dma_start3A_74 = arith.constant 1 : i32
      %dma_start3A_75 = arith.constant 0 : i32
      %dma_start3A_76 = arith.constant 0 : i32
      %dma_start3A_77 = tpu.memref_slice %arg7[%dma_start3A_74, %dma_start3A_75, %dma_start3A_76] : memref<2x8x2048xf32, #tpu.memory_space<vmem>> -> memref<1x8x2048xf32, #tpu.memory_space<vmem>>
      %dma_start3A_78 = tpu.memref_squeeze %dma_start3A_77 : memref<1x8x2048xf32, #tpu.memory_space<vmem>> -> memref<8x2048xf32, #tpu.memory_space<vmem>>
      %dma_start3A_79 = tpu.memref_slice %arg8[%mul3A_73] : memref<256xi32, #tpu.memory_space<vmem>> -> memref<8xi32, #tpu.memory_space<vmem>>
      %dma_start3A_80 = arith.constant 0 : i32
      %dma_start3A_81 = arith.constant 0 : i32
      %dma_start3A_82 = tpu.memref_slice %arg4[%dma_start3A_80, %dma_start3A_81] : memref<2048x2048xf32, #tpu.memory_space<hbm>> -> memref<2048x2048xf32, #tpu.memory_space<hbm>>
      tpu.enqueue_indirect_dma source(%dma_start3A_82 : memref<2048x2048xf32, #tpu.memory_space<hbm>>) target(%dma_start3A_78 : memref<8x2048xf32, #tpu.memory_space<vmem>>) offsets(%dma_start3A_79 : memref<8xi32, #tpu.memory_space<vmem>>) semaphore(%arg13 : memref<!tpu.dma_semaphore, #tpu.memory_space<semaphore_mem>>)
      %dma_wait3A = arith.constant 0 : i32
      %dma_wait3A_83 = arith.constant 0 : i32
      %dma_wait3A_84 = arith.constant 0 : i32
      %dma_wait3A_85 = tpu.memref_slice %arg6[%dma_wait3A, %dma_wait3A_83, %dma_wait3A_84] : memref<2x8x2048xf32, #tpu.memory_space<vmem>> -> memref<1x8x2048xf32, #tpu.memory_space<vmem>>
      %dma_wait3A_86 = tpu.memref_squeeze %dma_wait3A_85 : memref<1x8x2048xf32, #tpu.memory_space<vmem>> -> memref<8x2048xf32, #tpu.memory_space<vmem>>
      %dma_wait3A_87 = arith.constant 0 : i32
      %dma_wait3A_88 = tpu.memref_slice %arg2[%mul3A_2, %dma_wait3A_87] : memref<16384x2048xf32, #tpu.memory_space<hbm>> -> memref<8x2048xf32, #tpu.memory_space<hbm>>
      %dma_wait3A_89 = arith.constant 0 : i32
      %dma_wait3A_90 = arith.constant 0 : i32
      %dma_wait3A_91 = tpu.memref_slice %arg6[%dma_wait3A, %dma_wait3A_89, %dma_wait3A_90] : memref<2x8x2048xf32, #tpu.memory_space<vmem>> -> memref<1x8x2048xf32, #tpu.memory_space<vmem>>
      %dma_wait3A_92 = tpu.memref_squeeze %dma_wait3A_91 : memref<1x8x2048xf32, #tpu.memory_space<vmem>> -> memref<8x2048xf32, #tpu.memory_space<vmem>>
      %dma_wait3A_93 = arith.constant 0 : i32
      %dma_wait3A_94 = tpu.memref_slice %arg2[%mul3A_2, %dma_wait3A_93] : memref<16384x2048xf32, #tpu.memory_space<hbm>> -> memref<8x2048xf32, #tpu.memory_space<hbm>>
      tpu.wait_dma2 semaphore(%arg10 : memref<!tpu.dma_semaphore, #tpu.memory_space<semaphore_mem>>) src(%dma_wait3A_94 : memref<8x2048xf32, #tpu.memory_space<hbm>>) dst(%dma_wait3A_92 : memref<8x2048xf32, #tpu.memory_space<vmem>>)
      %mul3A_95 = arith.constant 8 : i32
      %mul3A_96 = arith.muli %mul3A_53, %mul3A_95 : i32
      %dma_wait3A_97 = arith.constant 0 : i32
      %dma_wait3A_98 = arith.constant 0 : i32
      %dma_wait3A_99 = arith.constant 0 : i32
      %dma_wait3A_100 = tpu.memref_slice %arg7[%dma_wait3A_97, %dma_wait3A_98, %dma_wait3A_99] : memref<2x8x2048xf32, #tpu.memory_space<vmem>> -> memref<1x8x2048xf32, #tpu.memory_space<vmem>>
      %dma_wait3A_101 = tpu.memref_squeeze %dma_wait3A_100 : memref<1x8x2048xf32, #tpu.memory_space<vmem>> -> memref<8x2048xf32, #tpu.memory_space<vmem>>
      %dma_wait3A_102 = tpu.memref_slice %arg8[%mul3A_96] : memref<256xi32, #tpu.memory_space<vmem>> -> memref<8xi32, #tpu.memory_space<vmem>>
      %dma_wait3A_103 = arith.constant 0 : i32
      %dma_wait3A_104 = arith.constant 0 : i32
      %dma_wait3A_105 = tpu.memref_slice %arg4[%dma_wait3A_103, %dma_wait3A_104] : memref<2048x2048xf32, #tpu.memory_space<hbm>> -> memref<2048x2048xf32, #tpu.memory_space<hbm>>
      tpu.wait_indirect_dma semaphore(%arg12 : memref<!tpu.dma_semaphore, #tpu.memory_space<semaphore_mem>>) src(%dma_wait3A_105 : memref<2048x2048xf32, #tpu.memory_space<hbm>>) dst(%dma_wait3A_101 : memref<8x2048xf32, #tpu.memory_space<vmem>>)
      %scan3A_106 = arith.constant 0 : i32
      %scan3A_107 = arith.constant 128 : i32
      %scan3A_108 = arith.addi %scan3A_106, %scan3A_107 : i32
      %scan3A_109 = arith.constant 1 : i32
      %scan3A_110:8 = scf.for %scan3A_144 = %scan3A_106 to %scan3A_108 step %scan3A_109 iter_args(%scan3A_145 = %scan3A_44, %scan3A_146 = %scan3A_45, %scan3A_147 = %scan3A_46, %scan3A_148 = %scan3A_47, %scan3A_149 = %scan3A_48, %scan3A_150 = %scan3A_49, %scan3A_151 = %scan3A_50, %scan3A_152 = %scan3A_51) -> (vector<16xf32>, vector<16xf32>, vector<16xf32>, vector<16xf32>, vector<16xf32>, vector<16xf32>, vector<16xf32>, vector<16xf32>)  : i32 {
        %mul3A_153 = arith.constant 16 : i32
        %mul3A_154 = arith.muli %scan3A_144, %mul3A_153 : i32
        %get3A = arith.constant 0 : i32
        %get3A_155 = arith.constant 0 : i32
        %get3A_156 = arith.index_cast %get3A : i32 to index
        %get3A_157 = arith.index_cast %get3A_155 : i32 to index
        %get3A_158 = arith.index_cast %mul3A_154 : i32 to index
        %get3A_159 = tpu.vector_load %arg6[%get3A_156, %get3A_157, %get3A_158] {strides = array<i32>} : memref<2x8x2048xf32, #tpu.memory_space<vmem>>, vector<1x1x16xf32>,
        %get3A_160 = vector.shape_cast %get3A_159 : vector<1x1x16xf32> to vector<16xf32>
        %get3A_161 = arith.constant 0 : i32
        %get3A_162 = arith.constant 0 : i32
        %get3A_163 = arith.index_cast %get3A_161 : i32 to index
        %get3A_164 = arith.index_cast %get3A_162 : i32 to index
        %get3A_165 = arith.index_cast %mul3A_154 : i32 to index
        %get3A_166 = tpu.vector_load %arg7[%get3A_163, %get3A_164, %get3A_165] {strides = array<i32>} : memref<2x8x2048xf32, #tpu.memory_space<vmem>>, vector<1x1x16xf32>,
        %get3A_167 = vector.shape_cast %get3A_166 : vector<1x1x16xf32> to vector<16xf32>
        %sub3A = arith.subf %get3A_160, %get3A_167 : vector<16xf32>
        %mul3A_168 = arith.mulf %sub3A, %sub3A : vector<16xf32>
        %add3A_169 = arith.addf %scan3A_145, %mul3A_168 : vector<16xf32>
        %get3A_170 = arith.constant 0 : i32
        %get3A_171 = arith.constant 1 : i32
        %get3A_172 = arith.index_cast %get3A_170 : i32 to index
        %get3A_173 = arith.index_cast %get3A_171 : i32 to index
        %get3A_174 = arith.index_cast %mul3A_154 : i32 to index
        %get3A_175 = tpu.vector_load %arg6[%get3A_172, %get3A_173, %get3A_174] {strides = array<i32>} : memref<2x8x2048xf32, #tpu.memory_space<vmem>>, vector<1x1x16xf32>,
        %get3A_176 = vector.shape_cast %get3A_175 : vector<1x1x16xf32> to vector<16xf32>
        %get3A_177 = arith.constant 0 : i32
        %get3A_178 = arith.constant 1 : i32
        %get3A_179 = arith.index_cast %get3A_177 : i32 to index
        %get3A_180 = arith.index_cast %get3A_178 : i32 to index
        %get3A_181 = arith.index_cast %mul3A_154 : i32 to index
        %get3A_182 = tpu.vector_load %arg7[%get3A_179, %get3A_180, %get3A_181] {strides = array<i32>} : memref<2x8x2048xf32, #tpu.memory_space<vmem>>, vector<1x1x16xf32>,
        %get3A_183 = vector.shape_cast %get3A_182 : vector<1x1x16xf32> to vector<16xf32>
        %sub3A_184 = arith.subf %get3A_176, %get3A_183 : vector<16xf32>
        %mul3A_185 = arith.mulf %sub3A_184, %sub3A_184 : vector<16xf32>
        %add3A_186 = arith.addf %scan3A_146, %mul3A_185 : vector<16xf32>
        %get3A_187 = arith.constant 0 : i32
        %get3A_188 = arith.constant 2 : i32
        %get3A_189 = arith.index_cast %get3A_187 : i32 to index
        %get3A_190 = arith.index_cast %get3A_188 : i32 to index
        %get3A_191 = arith.index_cast %mul3A_154 : i32 to index
        %get3A_192 = tpu.vector_load %arg6[%get3A_189, %get3A_190, %get3A_191] {strides = array<i32>} : memref<2x8x2048xf32, #tpu.memory_space<vmem>>, vector<1x1x16xf32>,
        %get3A_193 = vector.shape_cast %get3A_192 : vector<1x1x16xf32> to vector<16xf32>
        %get3A_194 = arith.constant 0 : i32
        %get3A_195 = arith.constant 2 : i32
        %get3A_196 = arith.index_cast %get3A_194 : i32 to index
        %get3A_197 = arith.index_cast %get3A_195 : i32 to index
        %get3A_198 = arith.index_cast %mul3A_154 : i32 to index
        %get3A_199 = tpu.vector_load %arg7[%get3A_196, %get3A_197, %get3A_198] {strides = array<i32>} : memref<2x8x2048xf32, #tpu.memory_space<vmem>>, vector<1x1x16xf32>,
        %get3A_200 = vector.shape_cast %get3A_199 : vector<1x1x16xf32> to vector<16xf32>
        %sub3A_201 = arith.subf %get3A_193, %get3A_200 : vector<16xf32>
        %mul3A_202 = arith.mulf %sub3A_201, %sub3A_201 : vector<16xf32>
        %add3A_203 = arith.addf %scan3A_147, %mul3A_202 : vector<16xf32>
        %get3A_204 = arith.constant 0 : i32
        %get3A_205 = arith.constant 3 : i32
        %get3A_206 = arith.index_cast %get3A_204 : i32 to index
        %get3A_207 = arith.index_cast %get3A_205 : i32 to index
        %get3A_208 = arith.index_cast %mul3A_154 : i32 to index
        %get3A_209 = tpu.vector_load %arg6[%get3A_206, %get3A_207, %get3A_208] {strides = array<i32>} : memref<2x8x2048xf32, #tpu.memory_space<vmem>>, vector<1x1x16xf32>,
        %get3A_210 = vector.shape_cast %get3A_209 : vector<1x1x16xf32> to vector<16xf32>
        %get3A_211 = arith.constant 0 : i32
        %get3A_212 = arith.constant 3 : i32
        %get3A_213 = arith.index_cast %get3A_211 : i32 to index
        %get3A_214 = arith.index_cast %get3A_212 : i32 to index
        %get3A_215 = arith.index_cast %mul3A_154 : i32 to index
        %get3A_216 = tpu.vector_load %arg7[%get3A_213, %get3A_214, %get3A_215] {strides = array<i32>} : memref<2x8x2048xf32, #tpu.memory_space<vmem>>, vector<1x1x16xf32>,
        %get3A_217 = vector.shape_cast %get3A_216 : vector<1x1x16xf32> to vector<16xf32>
        %sub3A_218 = arith.subf %get3A_210, %get3A_217 : vector<16xf32>
        %mul3A_219 = arith.mulf %sub3A_218, %sub3A_218 : vector<16xf32>
        %add3A_220 = arith.addf %scan3A_148, %mul3A_219 : vector<16xf32>
        %get3A_221 = arith.constant 0 : i32
        %get3A_222 = arith.constant 4 : i32
        %get3A_223 = arith.index_cast %get3A_221 : i32 to index
        %get3A_224 = arith.index_cast %get3A_222 : i32 to index
        %get3A_225 = arith.index_cast %mul3A_154 : i32 to index
        %get3A_226 = tpu.vector_load %arg6[%get3A_223, %get3A_224, %get3A_225] {strides = array<i32>} : memref<2x8x2048xf32, #tpu.memory_space<vmem>>, vector<1x1x16xf32>,
        %get3A_227 = vector.shape_cast %get3A_226 : vector<1x1x16xf32> to vector<16xf32>
        %get3A_228 = arith.constant 0 : i32
        %get3A_229 = arith.constant 4 : i32
        %get3A_230 = arith.index_cast %get3A_228 : i32 to index
        %get3A_231 = arith.index_cast %get3A_229 : i32 to index
        %get3A_232 = arith.index_cast %mul3A_154 : i32 to index
        %get3A_233 = tpu.vector_load %arg7[%get3A_230, %get3A_231, %get3A_232] {strides = array<i32>} : memref<2x8x2048xf32, #tpu.memory_space<vmem>>, vector<1x1x16xf32>,
        %get3A_234 = vector.shape_cast %get3A_233 : vector<1x1x16xf32> to vector<16xf32>
        %sub3A_235 = arith.subf %get3A_227, %get3A_234 : vector<16xf32>
        %mul3A_236 = arith.mulf %sub3A_235, %sub3A_235 : vector<16xf32>
        %add3A_237 = arith.addf %scan3A_149, %mul3A_236 : vector<16xf32>
        %get3A_238 = arith.constant 0 : i32
        %get3A_239 = arith.constant 5 : i32
        %get3A_240 = arith.index_cast %get3A_238 : i32 to index
        %get3A_241 = arith.index_cast %get3A_239 : i32 to index
        %get3A_242 = arith.index_cast %mul3A_154 : i32 to index
        %get3A_243 = tpu.vector_load %arg6[%get3A_240, %get3A_241, %get3A_242] {strides = array<i32>} : memref<2x8x2048xf32, #tpu.memory_space<vmem>>, vector<1x1x16xf32>,
        %get3A_244 = vector.shape_cast %get3A_243 : vector<1x1x16xf32> to vector<16xf32>
        %get3A_245 = arith.constant 0 : i32
        %get3A_246 = arith.constant 5 : i32
        %get3A_247 = arith.index_cast %get3A_245 : i32 to index
        %get3A_248 = arith.index_cast %get3A_246 : i32 to index
        %get3A_249 = arith.index_cast %mul3A_154 : i32 to index
        %get3A_250 = tpu.vector_load %arg7[%get3A_247, %get3A_248, %get3A_249] {strides = array<i32>} : memref<2x8x2048xf32, #tpu.memory_space<vmem>>, vector<1x1x16xf32>,
        %get3A_251 = vector.shape_cast %get3A_250 : vector<1x1x16xf32> to vector<16xf32>
        %sub3A_252 = arith.subf %get3A_244, %get3A_251 : vector<16xf32>
        %mul3A_253 = arith.mulf %sub3A_252, %sub3A_252 : vector<16xf32>
        %add3A_254 = arith.addf %scan3A_150, %mul3A_253 : vector<16xf32>
        %get3A_255 = arith.constant 0 : i32
        %get3A_256 = arith.constant 6 : i32
        %get3A_257 = arith.index_cast %get3A_255 : i32 to index
        %get3A_258 = arith.index_cast %get3A_256 : i32 to index
        %get3A_259 = arith.index_cast %mul3A_154 : i32 to index
        %get3A_260 = tpu.vector_load %arg6[%get3A_257, %get3A_258, %get3A_259] {strides = array<i32>} : memref<2x8x2048xf32, #tpu.memory_space<vmem>>, vector<1x1x16xf32>,
        %get3A_261 = vector.shape_cast %get3A_260 : vector<1x1x16xf32> to vector<16xf32>
        %get3A_262 = arith.constant 0 : i32
        %get3A_263 = arith.constant 6 : i32
        %get3A_264 = arith.index_cast %get3A_262 : i32 to index
        %get3A_265 = arith.index_cast %get3A_263 : i32 to index
        %get3A_266 = arith.index_cast %mul3A_154 : i32 to index
        %get3A_267 = tpu.vector_load %arg7[%get3A_264, %get3A_265, %get3A_266] {strides = array<i32>} : memref<2x8x2048xf32, #tpu.memory_space<vmem>>, vector<1x1x16xf32>,
        %get3A_268 = vector.shape_cast %get3A_267 : vector<1x1x16xf32> to vector<16xf32>
        %sub3A_269 = arith.subf %get3A_261, %get3A_268 : vector<16xf32>
        %mul3A_270 = arith.mulf %sub3A_269, %sub3A_269 : vector<16xf32>
        %add3A_271 = arith.addf %scan3A_151, %mul3A_270 : vector<16xf32>
        %get3A_272 = arith.constant 0 : i32
        %get3A_273 = arith.constant 7 : i32
        %get3A_274 = arith.index_cast %get3A_272 : i32 to index
        %get3A_275 = arith.index_cast %get3A_273 : i32 to index
        %get3A_276 = arith.index_cast %mul3A_154 : i32 to index
        %get3A_277 = tpu.vector_load %arg6[%get3A_274, %get3A_275, %get3A_276] {strides = array<i32>} : memref<2x8x2048xf32, #tpu.memory_space<vmem>>, vector<1x1x16xf32>,
        %get3A_278 = vector.shape_cast %get3A_277 : vector<1x1x16xf32> to vector<16xf32>
        %get3A_279 = arith.constant 0 : i32
        %get3A_280 = arith.constant 7 : i32
        %get3A_281 = arith.index_cast %get3A_279 : i32 to index
        %get3A_282 = arith.index_cast %get3A_280 : i32 to index
        %get3A_283 = arith.index_cast %mul3A_154 : i32 to index
        %get3A_284 = tpu.vector_load %arg7[%get3A_281, %get3A_282, %get3A_283] {strides = array<i32>} : memref<2x8x2048xf32, #tpu.memory_space<vmem>>, vector<1x1x16xf32>,
        %get3A_285 = vector.shape_cast %get3A_284 : vector<1x1x16xf32> to vector<16xf32>
        %sub3A_286 = arith.subf %get3A_278, %get3A_285 : vector<16xf32>
        %mul3A_287 = arith.mulf %sub3A_286, %sub3A_286 : vector<16xf32>
        %add3A_288 = arith.addf %scan3A_152, %mul3A_287 : vector<16xf32>
        scf.yield %add3A_169, %add3A_186, %add3A_203, %add3A_220, %add3A_237, %add3A_254, %add3A_271, %add3A_288 : vector<16xf32>, vector<16xf32>, vector<16xf32>, vector<16xf32>, vector<16xf32>, vector<16xf32>, vector<16xf32>, vector<16xf32>
      }
      %scan3A_111 = arith.constant 128 : i32
      %lt3A = arith.constant 15 : i32
      %lt3A_112 = arith.cmpi slt, %scan3A_43, %lt3A : i32
      %convert_element_type3A = arith.extui %lt3A_112 : i1 to i32
      %cond3A = arith.constant 0 : i32
      %cond3A_113 = arith.cmpi ne, %convert_element_type3A, %cond3A : i32
      scf.if %cond3A_113 {
        %add3A_144 = arith.constant 2 : i32
        %add3A_145 = arith.addi %mul3A_53, %add3A_144 : i32
        %mul3A_146 = arith.constant 8 : i32
        %mul3A_147 = arith.muli %add3A_145, %mul3A_146 : i32
        %add3A_148 = arith.addi %mul3A_2, %mul3A_147 : i32
        %dma_start3A_149 = arith.constant 0 : i32
        %dma_start3A_150 = arith.constant 0 : i32
        %dma_start3A_151 = arith.constant 0 : i32
        %dma_start3A_152 = tpu.memref_slice %arg6[%dma_start3A_149, %dma_start3A_150, %dma_start3A_151] : memref<2x8x2048xf32, #tpu.memory_space<vmem>> -> memref<1x8x2048xf32, #tpu.memory_space<vmem>>
        %dma_start3A_153 = tpu.memref_squeeze %dma_start3A_152 : memref<1x8x2048xf32, #tpu.memory_space<vmem>> -> memref<8x2048xf32, #tpu.memory_space<vmem>>
        %dma_start3A_154 = arith.constant 0 : i32
        %dma_start3A_155 = tpu.memref_slice %arg2[%add3A_148, %dma_start3A_154] : memref<16384x2048xf32, #tpu.memory_space<hbm>> -> memref<8x2048xf32, #tpu.memory_space<hbm>>
        %dma_start3A_156 = arith.constant 0 : i32
        %dma_start3A_157 = arith.constant 0 : i32
        %dma_start3A_158 = tpu.memref_slice %arg6[%dma_start3A_149, %dma_start3A_156, %dma_start3A_157] : memref<2x8x2048xf32, #tpu.memory_space<vmem>> -> memref<1x8x2048xf32, #tpu.memory_space<vmem>>
        %dma_start3A_159 = tpu.memref_squeeze %dma_start3A_158 : memref<1x8x2048xf32, #tpu.memory_space<vmem>> -> memref<8x2048xf32, #tpu.memory_space<vmem>>
        %dma_start3A_160 = arith.constant 0 : i32
        %dma_start3A_161 = tpu.memref_slice %arg2[%add3A_148, %dma_start3A_160] : memref<16384x2048xf32, #tpu.memory_space<hbm>> -> memref<8x2048xf32, #tpu.memory_space<hbm>>
        tpu.enqueue_dma source(%dma_start3A_161 : memref<8x2048xf32, #tpu.memory_space<hbm>>) target(%dma_start3A_159 : memref<8x2048xf32, #tpu.memory_space<vmem>>) target_semaphore(%arg10 : memref<!tpu.dma_semaphore, #tpu.memory_space<semaphore_mem>>)
        %mul3A_162 = arith.constant 8 : i32
        %mul3A_163 = arith.muli %add3A_145, %mul3A_162 : i32
        %dma_start3A_164 = arith.constant 0 : i32
        %dma_start3A_165 = arith.constant 0 : i32
        %dma_start3A_166 = arith.constant 0 : i32
        %dma_start3A_167 = tpu.memref_slice %arg7[%dma_start3A_164, %dma_start3A_165, %dma_start3A_166] : memref<2x8x2048xf32, #tpu.memory_space<vmem>> -> memref<1x8x2048xf32, #tpu.memory_space<vmem>>
        %dma_start3A_168 = tpu.memref_squeeze %dma_start3A_167 : memref<1x8x2048xf32, #tpu.memory_space<vmem>> -> memref<8x2048xf32, #tpu.memory_space<vmem>>
        %dma_start3A_169 = tpu.memref_slice %arg8[%mul3A_163] : memref<256xi32, #tpu.memory_space<vmem>> -> memref<8xi32, #tpu.memory_space<vmem>>
        %dma_start3A_170 = arith.constant 0 : i32
        %dma_start3A_171 = arith.constant 0 : i32
        %dma_start3A_172 = tpu.memref_slice %arg4[%dma_start3A_170, %dma_start3A_171] : memref<2048x2048xf32, #tpu.memory_space<hbm>> -> memref<2048x2048xf32, #tpu.memory_space<hbm>>
        tpu.enqueue_indirect_dma source(%dma_start3A_172 : memref<2048x2048xf32, #tpu.memory_space<hbm>>) target(%dma_start3A_168 : memref<8x2048xf32, #tpu.memory_space<vmem>>) offsets(%dma_start3A_169 : memref<8xi32, #tpu.memory_space<vmem>>) semaphore(%arg12 : memref<!tpu.dma_semaphore, #tpu.memory_space<semaphore_mem>>)
      } else {
      }
      %dma_wait3A_114 = arith.constant 1 : i32
      %dma_wait3A_115 = arith.constant 0 : i32
      %dma_wait3A_116 = arith.constant 0 : i32
      %dma_wait3A_117 = tpu.memref_slice %arg6[%dma_wait3A_114, %dma_wait3A_115, %dma_wait3A_116] : memref<2x8x2048xf32, #tpu.memory_space<vmem>> -> memref<1x8x2048xf32, #tpu.memory_space<vmem>>
      %dma_wait3A_118 = tpu.memref_squeeze %dma_wait3A_117 : memref<1x8x2048xf32, #tpu.memory_space<vmem>> -> memref<8x2048xf32, #tpu.memory_space<vmem>>
      %dma_wait3A_119 = arith.constant 0 : i32
      %dma_wait3A_120 = tpu.memref_slice %arg2[%mul3A_2, %dma_wait3A_119] : memref<16384x2048xf32, #tpu.memory_space<hbm>> -> memref<8x2048xf32, #tpu.memory_space<hbm>>
      %dma_wait3A_121 = arith.constant 0 : i32
      %dma_wait3A_122 = arith.constant 0 : i32
      %dma_wait3A_123 = tpu.memref_slice %arg6[%dma_wait3A_114, %dma_wait3A_121, %dma_wait3A_122] : memref<2x8x2048xf32, #tpu.memory_space<vmem>> -> memref<1x8x2048xf32, #tpu.memory_space<vmem>>
      %dma_wait3A_124 = tpu.memref_squeeze %dma_wait3A_123 : memref<1x8x2048xf32, #tpu.memory_space<vmem>> -> memref<8x2048xf32, #tpu.memory_space<vmem>>
      %dma_wait3A_125 = arith.constant 0 : i32
      %dma_wait3A_126 = tpu.memref_slice %arg2[%mul3A_2, %dma_wait3A_125] : memref<16384x2048xf32, #tpu.memory_space<hbm>> -> memref<8x2048xf32, #tpu.memory_space<hbm>>
      tpu.wait_dma2 semaphore(%arg11 : memref<!tpu.dma_semaphore, #tpu.memory_space<semaphore_mem>>) src(%dma_wait3A_126 : memref<8x2048xf32, #tpu.memory_space<hbm>>) dst(%dma_wait3A_124 : memref<8x2048xf32, #tpu.memory_space<vmem>>)
      %mul3A_127 = arith.constant 8 : i32
      %mul3A_128 = arith.muli %add3A_55, %mul3A_127 : i32
      %dma_wait3A_129 = arith.constant 1 : i32
      %dma_wait3A_130 = arith.constant 0 : i32
      %dma_wait3A_131 = arith.constant 0 : i32
      %dma_wait3A_132 = tpu.memref_slice %arg7[%dma_wait3A_129, %dma_wait3A_130, %dma_wait3A_131] : memref<2x8x2048xf32, #tpu.memory_space<vmem>> -> memref<1x8x2048xf32, #tpu.memory_space<vmem>>
      %dma_wait3A_133 = tpu.memref_squeeze %dma_wait3A_132 : memref<1x8x2048xf32, #tpu.memory_space<vmem>> -> memref<8x2048xf32, #tpu.memory_space<vmem>>
      %dma_wait3A_134 = tpu.memref_slice %arg8[%mul3A_128] : memref<256xi32, #tpu.memory_space<vmem>> -> memref<8xi32, #tpu.memory_space<vmem>>
      %dma_wait3A_135 = arith.constant 0 : i32
      %dma_wait3A_136 = arith.constant 0 : i32
      %dma_wait3A_137 = tpu.memref_slice %arg4[%dma_wait3A_135, %dma_wait3A_136] : memref<2048x2048xf32, #tpu.memory_space<hbm>> -> memref<2048x2048xf32, #tpu.memory_space<hbm>>
      tpu.wait_indirect_dma semaphore(%arg13 : memref<!tpu.dma_semaphore, #tpu.memory_space<semaphore_mem>>) src(%dma_wait3A_137 : memref<2048x2048xf32, #tpu.memory_space<hbm>>) dst(%dma_wait3A_133 : memref<8x2048xf32, #tpu.memory_space<vmem>>)
      %scan3A_138 = arith.constant 0 : i32
      %scan3A_139 = arith.constant 128 : i32
      %scan3A_140 = arith.addi %scan3A_138, %scan3A_139 : i32
      %scan3A_141 = arith.constant 1 : i32
      %scan3A_142:8 = scf.for %scan3A_144 = %scan3A_138 to %scan3A_140 step %scan3A_141 iter_args(%scan3A_145 = %scan3A_110#0, %scan3A_146 = %scan3A_110#1, %scan3A_147 = %scan3A_110#2, %scan3A_148 = %scan3A_110#3, %scan3A_149 = %scan3A_110#4, %scan3A_150 = %scan3A_110#5, %scan3A_151 = %scan3A_110#6, %scan3A_152 = %scan3A_110#7) -> (vector<16xf32>, vector<16xf32>, vector<16xf32>, vector<16xf32>, vector<16xf32>, vector<16xf32>, vector<16xf32>, vector<16xf32>)  : i32 {
        %mul3A_153 = arith.constant 16 : i32
        %mul3A_154 = arith.muli %scan3A_144, %mul3A_153 : i32
        %get3A = arith.constant 1 : i32
        %get3A_155 = arith.constant 0 : i32
        %get3A_156 = arith.index_cast %get3A : i32 to index
        %get3A_157 = arith.index_cast %get3A_155 : i32 to index
        %get3A_158 = arith.index_cast %mul3A_154 : i32 to index
        %get3A_159 = tpu.vector_load %arg6[%get3A_156, %get3A_157, %get3A_158] {strides = array<i32>} : memref<2x8x2048xf32, #tpu.memory_space<vmem>>, vector<1x1x16xf32>,
        %get3A_160 = vector.shape_cast %get3A_159 : vector<1x1x16xf32> to vector<16xf32>
        %get3A_161 = arith.constant 1 : i32
        %get3A_162 = arith.constant 0 : i32
        %get3A_163 = arith.index_cast %get3A_161 : i32 to index
        %get3A_164 = arith.index_cast %get3A_162 : i32 to index
        %get3A_165 = arith.index_cast %mul3A_154 : i32 to index
        %get3A_166 = tpu.vector_load %arg7[%get3A_163, %get3A_164, %get3A_165] {strides = array<i32>} : memref<2x8x2048xf32, #tpu.memory_space<vmem>>, vector<1x1x16xf32>,
        %get3A_167 = vector.shape_cast %get3A_166 : vector<1x1x16xf32> to vector<16xf32>
        %sub3A = arith.subf %get3A_160, %get3A_167 : vector<16xf32>
        %mul3A_168 = arith.mulf %sub3A, %sub3A : vector<16xf32>
        %add3A_169 = arith.addf %scan3A_145, %mul3A_168 : vector<16xf32>
        %get3A_170 = arith.constant 1 : i32
        %get3A_171 = arith.constant 1 : i32
        %get3A_172 = arith.index_cast %get3A_170 : i32 to index
        %get3A_173 = arith.index_cast %get3A_171 : i32 to index
        %get3A_174 = arith.index_cast %mul3A_154 : i32 to index
        %get3A_175 = tpu.vector_load %arg6[%get3A_172, %get3A_173, %get3A_174] {strides = array<i32>} : memref<2x8x2048xf32, #tpu.memory_space<vmem>>, vector<1x1x16xf32>,
        %get3A_176 = vector.shape_cast %get3A_175 : vector<1x1x16xf32> to vector<16xf32>
        %get3A_177 = arith.constant 1 : i32
        %get3A_178 = arith.constant 1 : i32
        %get3A_179 = arith.index_cast %get3A_177 : i32 to index
        %get3A_180 = arith.index_cast %get3A_178 : i32 to index
        %get3A_181 = arith.index_cast %mul3A_154 : i32 to index
        %get3A_182 = tpu.vector_load %arg7[%get3A_179, %get3A_180, %get3A_181] {strides = array<i32>} : memref<2x8x2048xf32, #tpu.memory_space<vmem>>, vector<1x1x16xf32>,
        %get3A_183 = vector.shape_cast %get3A_182 : vector<1x1x16xf32> to vector<16xf32>
        %sub3A_184 = arith.subf %get3A_176, %get3A_183 : vector<16xf32>
        %mul3A_185 = arith.mulf %sub3A_184, %sub3A_184 : vector<16xf32>
        %add3A_186 = arith.addf %scan3A_146, %mul3A_185 : vector<16xf32>
        %get3A_187 = arith.constant 1 : i32
        %get3A_188 = arith.constant 2 : i32
        %get3A_189 = arith.index_cast %get3A_187 : i32 to index
        %get3A_190 = arith.index_cast %get3A_188 : i32 to index
        %get3A_191 = arith.index_cast %mul3A_154 : i32 to index
        %get3A_192 = tpu.vector_load %arg6[%get3A_189, %get3A_190, %get3A_191] {strides = array<i32>} : memref<2x8x2048xf32, #tpu.memory_space<vmem>>, vector<1x1x16xf32>,
        %get3A_193 = vector.shape_cast %get3A_192 : vector<1x1x16xf32> to vector<16xf32>
        %get3A_194 = arith.constant 1 : i32
        %get3A_195 = arith.constant 2 : i32
        %get3A_196 = arith.index_cast %get3A_194 : i32 to index
        %get3A_197 = arith.index_cast %get3A_195 : i32 to index
        %get3A_198 = arith.index_cast %mul3A_154 : i32 to index
        %get3A_199 = tpu.vector_load %arg7[%get3A_196, %get3A_197, %get3A_198] {strides = array<i32>} : memref<2x8x2048xf32, #tpu.memory_space<vmem>>, vector<1x1x16xf32>,
        %get3A_200 = vector.shape_cast %get3A_199 : vector<1x1x16xf32> to vector<16xf32>
        %sub3A_201 = arith.subf %get3A_193, %get3A_200 : vector<16xf32>
        %mul3A_202 = arith.mulf %sub3A_201, %sub3A_201 : vector<16xf32>
        %add3A_203 = arith.addf %scan3A_147, %mul3A_202 : vector<16xf32>
        %get3A_204 = arith.constant 1 : i32
        %get3A_205 = arith.constant 3 : i32
        %get3A_206 = arith.index_cast %get3A_204 : i32 to index
        %get3A_207 = arith.index_cast %get3A_205 : i32 to index
        %get3A_208 = arith.index_cast %mul3A_154 : i32 to index
        %get3A_209 = tpu.vector_load %arg6[%get3A_206, %get3A_207, %get3A_208] {strides = array<i32>} : memref<2x8x2048xf32, #tpu.memory_space<vmem>>, vector<1x1x16xf32>,
        %get3A_210 = vector.shape_cast %get3A_209 : vector<1x1x16xf32> to vector<16xf32>
        %get3A_211 = arith.constant 1 : i32
        %get3A_212 = arith.constant 3 : i32
        %get3A_213 = arith.index_cast %get3A_211 : i32 to index
        %get3A_214 = arith.index_cast %get3A_212 : i32 to index
        %get3A_215 = arith.index_cast %mul3A_154 : i32 to index
        %get3A_216 = tpu.vector_load %arg7[%get3A_213, %get3A_214, %get3A_215] {strides = array<i32>} : memref<2x8x2048xf32, #tpu.memory_space<vmem>>, vector<1x1x16xf32>,
        %get3A_217 = vector.shape_cast %get3A_216 : vector<1x1x16xf32> to vector<16xf32>
        %sub3A_218 = arith.subf %get3A_210, %get3A_217 : vector<16xf32>
        %mul3A_219 = arith.mulf %sub3A_218, %sub3A_218 : vector<16xf32>
        %add3A_220 = arith.addf %scan3A_148, %mul3A_219 : vector<16xf32>
        %get3A_221 = arith.constant 1 : i32
        %get3A_222 = arith.constant 4 : i32
        %get3A_223 = arith.index_cast %get3A_221 : i32 to index
        %get3A_224 = arith.index_cast %get3A_222 : i32 to index
        %get3A_225 = arith.index_cast %mul3A_154 : i32 to index
        %get3A_226 = tpu.vector_load %arg6[%get3A_223, %get3A_224, %get3A_225] {strides = array<i32>} : memref<2x8x2048xf32, #tpu.memory_space<vmem>>, vector<1x1x16xf32>,
        %get3A_227 = vector.shape_cast %get3A_226 : vector<1x1x16xf32> to vector<16xf32>
        %get3A_228 = arith.constant 1 : i32
        %get3A_229 = arith.constant 4 : i32
        %get3A_230 = arith.index_cast %get3A_228 : i32 to index
        %get3A_231 = arith.index_cast %get3A_229 : i32 to index
        %get3A_232 = arith.index_cast %mul3A_154 : i32 to index
        %get3A_233 = tpu.vector_load %arg7[%get3A_230, %get3A_231, %get3A_232] {strides = array<i32>} : memref<2x8x2048xf32, #tpu.memory_space<vmem>>, vector<1x1x16xf32>,
        %get3A_234 = vector.shape_cast %get3A_233 : vector<1x1x16xf32> to vector<16xf32>
        %sub3A_235 = arith.subf %get3A_227, %get3A_234 : vector<16xf32>
        %mul3A_236 = arith.mulf %sub3A_235, %sub3A_235 : vector<16xf32>
        %add3A_237 = arith.addf %scan3A_149, %mul3A_236 : vector<16xf32>
        %get3A_238 = arith.constant 1 : i32
        %get3A_239 = arith.constant 5 : i32
        %get3A_240 = arith.index_cast %get3A_238 : i32 to index
        %get3A_241 = arith.index_cast %get3A_239 : i32 to index
        %get3A_242 = arith.index_cast %mul3A_154 : i32 to index
        %get3A_243 = tpu.vector_load %arg6[%get3A_240, %get3A_241, %get3A_242] {strides = array<i32>} : memref<2x8x2048xf32, #tpu.memory_space<vmem>>, vector<1x1x16xf32>,
        %get3A_244 = vector.shape_cast %get3A_243 : vector<1x1x16xf32> to vector<16xf32>
        %get3A_245 = arith.constant 1 : i32
        %get3A_246 = arith.constant 5 : i32
        %get3A_247 = arith.index_cast %get3A_245 : i32 to index
        %get3A_248 = arith.index_cast %get3A_246 : i32 to index
        %get3A_249 = arith.index_cast %mul3A_154 : i32 to index
        %get3A_250 = tpu.vector_load %arg7[%get3A_247, %get3A_248, %get3A_249] {strides = array<i32>} : memref<2x8x2048xf32, #tpu.memory_space<vmem>>, vector<1x1x16xf32>,
        %get3A_251 = vector.shape_cast %get3A_250 : vector<1x1x16xf32> to vector<16xf32>
        %sub3A_252 = arith.subf %get3A_244, %get3A_251 : vector<16xf32>
        %mul3A_253 = arith.mulf %sub3A_252, %sub3A_252 : vector<16xf32>
        %add3A_254 = arith.addf %scan3A_150, %mul3A_253 : vector<16xf32>
        %get3A_255 = arith.constant 1 : i32
        %get3A_256 = arith.constant 6 : i32
        %get3A_257 = arith.index_cast %get3A_255 : i32 to index
        %get3A_258 = arith.index_cast %get3A_256 : i32 to index
        %get3A_259 = arith.index_cast %mul3A_154 : i32 to index
        %get3A_260 = tpu.vector_load %arg6[%get3A_257, %get3A_258, %get3A_259] {strides = array<i32>} : memref<2x8x2048xf32, #tpu.memory_space<vmem>>, vector<1x1x16xf32>,
        %get3A_261 = vector.shape_cast %get3A_260 : vector<1x1x16xf32> to vector<16xf32>
        %get3A_262 = arith.constant 1 : i32
        %get3A_263 = arith.constant 6 : i32
        %get3A_264 = arith.index_cast %get3A_262 : i32 to index
        %get3A_265 = arith.index_cast %get3A_263 : i32 to index
        %get3A_266 = arith.index_cast %mul3A_154 : i32 to index
        %get3A_267 = tpu.vector_load %arg7[%get3A_264, %get3A_265, %get3A_266] {strides = array<i32>} : memref<2x8x2048xf32, #tpu.memory_space<vmem>>, vector<1x1x16xf32>,
        %get3A_268 = vector.shape_cast %get3A_267 : vector<1x1x16xf32> to vector<16xf32>
        %sub3A_269 = arith.subf %get3A_261, %get3A_268 : vector<16xf32>
        %mul3A_270 = arith.mulf %sub3A_269, %sub3A_269 : vector<16xf32>
        %add3A_271 = arith.addf %scan3A_151, %mul3A_270 : vector<16xf32>
        %get3A_272 = arith.constant 1 : i32
        %get3A_273 = arith.constant 7 : i32
        %get3A_274 = arith.index_cast %get3A_272 : i32 to index
        %get3A_275 = arith.index_cast %get3A_273 : i32 to index
        %get3A_276 = arith.index_cast %mul3A_154 : i32 to index
        %get3A_277 = tpu.vector_load %arg6[%get3A_274, %get3A_275, %get3A_276] {strides = array<i32>} : memref<2x8x2048xf32, #tpu.memory_space<vmem>>, vector<1x1x16xf32>,
        %get3A_278 = vector.shape_cast %get3A_277 : vector<1x1x16xf32> to vector<16xf32>
        %get3A_279 = arith.constant 1 : i32
        %get3A_280 = arith.constant 7 : i32
        %get3A_281 = arith.index_cast %get3A_279 : i32 to index
        %get3A_282 = arith.index_cast %get3A_280 : i32 to index
        %get3A_283 = arith.index_cast %mul3A_154 : i32 to index
        %get3A_284 = tpu.vector_load %arg7[%get3A_281, %get3A_282, %get3A_283] {strides = array<i32>} : memref<2x8x2048xf32, #tpu.memory_space<vmem>>, vector<1x1x16xf32>,
        %get3A_285 = vector.shape_cast %get3A_284 : vector<1x1x16xf32> to vector<16xf32>
        %sub3A_286 = arith.subf %get3A_278, %get3A_285 : vector<16xf32>
        %mul3A_287 = arith.mulf %sub3A_286, %sub3A_286 : vector<16xf32>
        %add3A_288 = arith.addf %scan3A_152, %mul3A_287 : vector<16xf32>
        scf.yield %add3A_169, %add3A_186, %add3A_203, %add3A_220, %add3A_237, %add3A_254, %add3A_271, %add3A_288 : vector<16xf32>, vector<16xf32>, vector<16xf32>, vector<16xf32>, vector<16xf32>, vector<16xf32>, vector<16xf32>, vector<16xf32>
      }
      %scan3A_143 = arith.constant 128 : i32
      scf.yield %scan3A_142#0, %scan3A_142#1, %scan3A_142#2, %scan3A_142#3, %scan3A_142#4, %scan3A_142#5, %scan3A_142#6, %scan3A_142#7 : vector<16xf32>, vector<16xf32>, vector<16xf32>, vector<16xf32>, vector<16xf32>, vector<16xf32>, vector<16xf32>, vector<16xf32>
    }
    %scan3A_32 = arith.constant 16 : i32
    %add3A_33 = arith.addf %scan3A_31#0, %scan3A_31#1 : vector<16xf32>
    %add3A_34 = arith.addf %add3A_33, %scan3A_31#2 : vector<16xf32>
    %add3A_35 = arith.addf %add3A_34, %scan3A_31#3 : vector<16xf32>
    %add3A_36 = arith.addf %add3A_35, %scan3A_31#4 : vector<16xf32>
    %add3A_37 = arith.addf %add3A_36, %scan3A_31#5 : vector<16xf32>
    %add3A_38 = arith.addf %add3A_37, %scan3A_31#6 : vector<16xf32>
    %add3A_39 = arith.addf %add3A_38, %scan3A_31#7 : vector<16xf32>
    %swap3A = arith.constant 0 : index
    %swap3A_40 = tpu.vector_load %arg9[%swap3A] {strides = array<i32>} : memref<16xf32, #tpu.memory_space<vmem>>, vector<16xf32>,
    %swap3A_41 = vector.shape_cast %swap3A_40 : vector<16xf32> to vector<16xf32>
    %swap3A_42 = vector.shape_cast %add3A_39 : vector<16xf32> to vector<16xf32>
    tpu.vector_store %arg9[%swap3A], %swap3A_42 {strides = array<i32>} : memref<16xf32, #tpu.memory_space<vmem>>, vector<16xf32>,
    "tpu.region"() ({
      %run_scoped3A = tpu.sem_alloc : memref<!tpu.dma_semaphore, #tpu.memory_space<semaphore_mem>>
      %dma_start3A_43 = arith.constant 0 : i32
      %dma_start3A_44 = tpu.memref_slice %arg5[%add3A, %dma_start3A_43] : memref<32x16xf32, #tpu.memory_space<hbm>> -> memref<1x16xf32, #tpu.memory_space<hbm>>
      %dma_start3A_45 = tpu.memref_squeeze %dma_start3A_44 : memref<1x16xf32, #tpu.memory_space<hbm>> -> memref<16xf32, #tpu.memory_space<hbm>>
      %dma_start3A_46 = arith.constant 0 : i32
      %dma_start3A_47 = tpu.memref_slice %arg5[%add3A, %dma_start3A_46] : memref<32x16xf32, #tpu.memory_space<hbm>> -> memref<1x16xf32, #tpu.memory_space<hbm>>
      %dma_start3A_48 = tpu.memref_squeeze %dma_start3A_47 : memref<1x16xf32, #tpu.memory_space<hbm>> -> memref<16xf32, #tpu.memory_space<hbm>>
      tpu.enqueue_dma source(%arg9 : memref<16xf32, #tpu.memory_space<vmem>>) target(%dma_start3A_48 : memref<16xf32, #tpu.memory_space<hbm>>) target_semaphore(%run_scoped3A : memref<!tpu.dma_semaphore, #tpu.memory_space<semaphore_mem>>)
      %dma_wait3A = arith.constant 0 : i32
      %dma_wait3A_49 = tpu.memref_slice %arg5[%add3A, %dma_wait3A] : memref<32x16xf32, #tpu.memory_space<hbm>> -> memref<1x16xf32, #tpu.memory_space<hbm>>
      %dma_wait3A_50 = tpu.memref_squeeze %dma_wait3A_49 : memref<1x16xf32, #tpu.memory_space<hbm>> -> memref<16xf32, #tpu.memory_space<hbm>>
      %dma_wait3A_51 = arith.constant 0 : i32
      %dma_wait3A_52 = tpu.memref_slice %arg5[%add3A, %dma_wait3A_51] : memref<32x16xf32, #tpu.memory_space<hbm>> -> memref<1x16xf32, #tpu.memory_space<hbm>>
      %dma_wait3A_53 = tpu.memref_squeeze %dma_wait3A_52 : memref<1x16xf32, #tpu.memory_space<hbm>> -> memref<16xf32, #tpu.memory_space<hbm>>
      tpu.wait_dma2 semaphore(%run_scoped3A : memref<!tpu.dma_semaphore, #tpu.memory_space<semaphore_mem>>) src(%arg9 : memref<16xf32, #tpu.memory_space<vmem>>) dst(%dma_wait3A_53 : memref<16xf32, #tpu.memory_space<hbm>>)
      tpu.yield
    }) : () -> ()
    return
  }
}

module attributes {stable_mosaic.version = 14 : i64} {
  func.func @body(%arg0: i32, %arg1: memref<256xi32, #tpu.memory_space<smem>>, %arg2: memref<256x2048xf32, #tpu.memory_space<vmem>>, %arg3: memref<2048x2048xf32, #tpu.memory_space<any>>, %arg4: memref<1x2048xf32, #tpu.memory_space<vmem>>, %arg5: memref<2048x2048xf32, #tpu.memory_space<vmem>>, %arg6: memref<!tpu.dma_semaphore, #tpu.memory_space<semaphore_mem>>) attributes {dimension_semantics = [#tpu.dimension_semantics<arbitrary>], iteration_bounds = array<i64: 32>, scalar_prefetch = 0 : i64, scratch_operands = 2 : i64, tpu.core_type = #tpu.core_type<tc>, window_params = [{transform_indices = @transform_0, window_bounds = array<i64: 256>}, {transform_indices = @transform_1, window_bounds = array<i64: 256, 2048>}, {}, {pipeline_mode = #tpu.pipeline_mode<synchronous>, transform_indices = @transform_3, window_bounds = array<i64: 1, 2048>}]} {
    %eq3A = arith.constant 0 : i32
    %eq3A_0 = arith.cmpi eq, %arg0, %eq3A : i32
    %convert_element_type3A = arith.extui %eq3A_0 : i1 to i32
    %cond3A = arith.constant 0 : i32
    %cond3A_1 = arith.cmpi ne, %convert_element_type3A, %cond3A : i32
    scf.if %cond3A_1 {
      tpu.enqueue_dma source(%arg3 : memref<2048x2048xf32, #tpu.memory_space<any>>) target(%arg5 : memref<2048x2048xf32, #tpu.memory_space<vmem>>) target_semaphore(%arg6 : memref<!tpu.dma_semaphore, #tpu.memory_space<semaphore_mem>>)
      tpu.wait_dma2 semaphore(%arg6 : memref<!tpu.dma_semaphore, #tpu.memory_space<semaphore_mem>>) src(%arg3 : memref<2048x2048xf32, #tpu.memory_space<any>>) dst(%arg5 : memref<2048x2048xf32, #tpu.memory_space<vmem>>)
      %broadcast_in_dim3A_15 = arith.constant 0.000000e+00 : f32
      %broadcast_in_dim3A_16 = vector.broadcast %broadcast_in_dim3A_15 : f32 to vector<1x2048xf32>
      %swap3A_17 = arith.constant 0 : index
      %swap3A_18 = arith.constant 0 : index
      %swap3A_19 = vector.load %arg4[%swap3A_17, %swap3A_18] : memref<1x2048xf32, #tpu.memory_space<vmem>>, vector<1x2048xf32>
      tpu.vector_store %arg4[%swap3A_17, %swap3A_18], %broadcast_in_dim3A_16 {strides = array<i32>} : memref<1x2048xf32, #tpu.memory_space<vmem>>, vector<1x2048xf32>,
    } else {
    }
    %broadcast_in_dim3A = arith.constant 0.000000e+00 : f32
    %broadcast_in_dim3A_2 = vector.broadcast %broadcast_in_dim3A : f32 to vector<1x2048xf32>
    %scan3A = arith.constant 0 : i32
    %scan3A_3 = arith.constant 16 : i32
    %scan3A_4 = arith.addi %scan3A, %scan3A_3 : i32
    %scan3A_5 = arith.constant 1 : i32
    %scan3A_6:4 = scf.for %scan3A_15 = %scan3A to %scan3A_4 step %scan3A_5 iter_args(%scan3A_16 = %broadcast_in_dim3A_2, %scan3A_17 = %broadcast_in_dim3A_2, %scan3A_18 = %broadcast_in_dim3A_2, %scan3A_19 = %broadcast_in_dim3A_2) -> (vector<1x2048xf32>, vector<1x2048xf32>, vector<1x2048xf32>, vector<1x2048xf32>)  : i32 {
      %mul3A = arith.constant 16 : i32
      %mul3A_20 = arith.muli %scan3A_15, %mul3A : i32
      %add3A_21 = arith.constant 0 : i32
      %add3A_22 = arith.addi %mul3A_20, %add3A_21 : i32
      %get3A_23 = arith.index_cast %add3A_22 : i32 to index
      %get3A_24 = memref.load %arg1[%get3A_23] : memref<256xi32, #tpu.memory_space<smem>>
      %mul3A_25 = arith.constant 16 : i32
      %mul3A_26 = arith.muli %scan3A_15, %mul3A_25 : i32
      %add3A_27 = arith.constant 1 : i32
      %add3A_28 = arith.addi %mul3A_26, %add3A_27 : i32
      %get3A_29 = arith.index_cast %add3A_28 : i32 to index
      %get3A_30 = memref.load %arg1[%get3A_29] : memref<256xi32, #tpu.memory_space<smem>>
      %mul3A_31 = arith.constant 16 : i32
      %mul3A_32 = arith.muli %scan3A_15, %mul3A_31 : i32
      %add3A_33 = arith.constant 2 : i32
      %add3A_34 = arith.addi %mul3A_32, %add3A_33 : i32
      %get3A_35 = arith.index_cast %add3A_34 : i32 to index
      %get3A_36 = memref.load %arg1[%get3A_35] : memref<256xi32, #tpu.memory_space<smem>>
      %mul3A_37 = arith.constant 16 : i32
      %mul3A_38 = arith.muli %scan3A_15, %mul3A_37 : i32
      %add3A_39 = arith.constant 3 : i32
      %add3A_40 = arith.addi %mul3A_38, %add3A_39 : i32
      %get3A_41 = arith.index_cast %add3A_40 : i32 to index
      %get3A_42 = memref.load %arg1[%get3A_41] : memref<256xi32, #tpu.memory_space<smem>>
      %mul3A_43 = arith.constant 16 : i32
      %mul3A_44 = arith.muli %scan3A_15, %mul3A_43 : i32
      %add3A_45 = arith.constant 4 : i32
      %add3A_46 = arith.addi %mul3A_44, %add3A_45 : i32
      %get3A_47 = arith.index_cast %add3A_46 : i32 to index
      %get3A_48 = memref.load %arg1[%get3A_47] : memref<256xi32, #tpu.memory_space<smem>>
      %mul3A_49 = arith.constant 16 : i32
      %mul3A_50 = arith.muli %scan3A_15, %mul3A_49 : i32
      %add3A_51 = arith.constant 5 : i32
      %add3A_52 = arith.addi %mul3A_50, %add3A_51 : i32
      %get3A_53 = arith.index_cast %add3A_52 : i32 to index
      %get3A_54 = memref.load %arg1[%get3A_53] : memref<256xi32, #tpu.memory_space<smem>>
      %mul3A_55 = arith.constant 16 : i32
      %mul3A_56 = arith.muli %scan3A_15, %mul3A_55 : i32
      %add3A_57 = arith.constant 6 : i32
      %add3A_58 = arith.addi %mul3A_56, %add3A_57 : i32
      %get3A_59 = arith.index_cast %add3A_58 : i32 to index
      %get3A_60 = memref.load %arg1[%get3A_59] : memref<256xi32, #tpu.memory_space<smem>>
      %mul3A_61 = arith.constant 16 : i32
      %mul3A_62 = arith.muli %scan3A_15, %mul3A_61 : i32
      %add3A_63 = arith.constant 7 : i32
      %add3A_64 = arith.addi %mul3A_62, %add3A_63 : i32
      %get3A_65 = arith.index_cast %add3A_64 : i32 to index
      %get3A_66 = memref.load %arg1[%get3A_65] : memref<256xi32, #tpu.memory_space<smem>>
      %mul3A_67 = arith.constant 16 : i32
      %mul3A_68 = arith.muli %scan3A_15, %mul3A_67 : i32
      %add3A_69 = arith.constant 8 : i32
      %add3A_70 = arith.addi %mul3A_68, %add3A_69 : i32
      %get3A_71 = arith.index_cast %add3A_70 : i32 to index
      %get3A_72 = memref.load %arg1[%get3A_71] : memref<256xi32, #tpu.memory_space<smem>>
      %mul3A_73 = arith.constant 16 : i32
      %mul3A_74 = arith.muli %scan3A_15, %mul3A_73 : i32
      %add3A_75 = arith.constant 9 : i32
      %add3A_76 = arith.addi %mul3A_74, %add3A_75 : i32
      %get3A_77 = arith.index_cast %add3A_76 : i32 to index
      %get3A_78 = memref.load %arg1[%get3A_77] : memref<256xi32, #tpu.memory_space<smem>>
      %mul3A_79 = arith.constant 16 : i32
      %mul3A_80 = arith.muli %scan3A_15, %mul3A_79 : i32
      %add3A_81 = arith.constant 10 : i32
      %add3A_82 = arith.addi %mul3A_80, %add3A_81 : i32
      %get3A_83 = arith.index_cast %add3A_82 : i32 to index
      %get3A_84 = memref.load %arg1[%get3A_83] : memref<256xi32, #tpu.memory_space<smem>>
      %mul3A_85 = arith.constant 16 : i32
      %mul3A_86 = arith.muli %scan3A_15, %mul3A_85 : i32
      %add3A_87 = arith.constant 11 : i32
      %add3A_88 = arith.addi %mul3A_86, %add3A_87 : i32
      %get3A_89 = arith.index_cast %add3A_88 : i32 to index
      %get3A_90 = memref.load %arg1[%get3A_89] : memref<256xi32, #tpu.memory_space<smem>>
      %mul3A_91 = arith.constant 16 : i32
      %mul3A_92 = arith.muli %scan3A_15, %mul3A_91 : i32
      %add3A_93 = arith.constant 12 : i32
      %add3A_94 = arith.addi %mul3A_92, %add3A_93 : i32
      %get3A_95 = arith.index_cast %add3A_94 : i32 to index
      %get3A_96 = memref.load %arg1[%get3A_95] : memref<256xi32, #tpu.memory_space<smem>>
      %mul3A_97 = arith.constant 16 : i32
      %mul3A_98 = arith.muli %scan3A_15, %mul3A_97 : i32
      %add3A_99 = arith.constant 13 : i32
      %add3A_100 = arith.addi %mul3A_98, %add3A_99 : i32
      %get3A_101 = arith.index_cast %add3A_100 : i32 to index
      %get3A_102 = memref.load %arg1[%get3A_101] : memref<256xi32, #tpu.memory_space<smem>>
      %mul3A_103 = arith.constant 16 : i32
      %mul3A_104 = arith.muli %scan3A_15, %mul3A_103 : i32
      %add3A_105 = arith.constant 14 : i32
      %add3A_106 = arith.addi %mul3A_104, %add3A_105 : i32
      %get3A_107 = arith.index_cast %add3A_106 : i32 to index
      %get3A_108 = memref.load %arg1[%get3A_107] : memref<256xi32, #tpu.memory_space<smem>>
      %mul3A_109 = arith.constant 16 : i32
      %mul3A_110 = arith.muli %scan3A_15, %mul3A_109 : i32
      %add3A_111 = arith.constant 15 : i32
      %add3A_112 = arith.addi %mul3A_110, %add3A_111 : i32
      %get3A_113 = arith.index_cast %add3A_112 : i32 to index
      %get3A_114 = memref.load %arg1[%get3A_113] : memref<256xi32, #tpu.memory_space<smem>>
      %mul3A_115 = arith.constant 16 : i32
      %mul3A_116 = arith.muli %scan3A_15, %mul3A_115 : i32
      %add3A_117 = arith.constant 0 : i32
      %add3A_118 = arith.addi %mul3A_116, %add3A_117 : i32
      %get3A_119 = arith.index_cast %add3A_118 : i32 to index
      %get3A_120 = arith.constant 0 : index
      %get3A_121 = vector.load %arg2[%get3A_119, %get3A_120] : memref<256x2048xf32, #tpu.memory_space<vmem>>, vector<1x2048xf32>
      %get3A_122 = arith.index_cast %get3A_24 : i32 to index
      %get3A_123 = arith.constant 0 : index
      %get3A_124 = vector.load %arg5[%get3A_122, %get3A_123] : memref<2048x2048xf32, #tpu.memory_space<vmem>>, vector<1x2048xf32>
      %sub3A = arith.subf %get3A_121, %get3A_124 : vector<1x2048xf32>
      %mul3A_125 = arith.mulf %sub3A, %sub3A : vector<1x2048xf32>
      %add3A_126 = arith.addf %scan3A_16, %mul3A_125 : vector<1x2048xf32>
      %mul3A_127 = arith.constant 16 : i32
      %mul3A_128 = arith.muli %scan3A_15, %mul3A_127 : i32
      %add3A_129 = arith.constant 1 : i32
      %add3A_130 = arith.addi %mul3A_128, %add3A_129 : i32
      %get3A_131 = arith.index_cast %add3A_130 : i32 to index
      %get3A_132 = arith.constant 0 : index
      %get3A_133 = vector.load %arg2[%get3A_131, %get3A_132] : memref<256x2048xf32, #tpu.memory_space<vmem>>, vector<1x2048xf32>
      %get3A_134 = arith.index_cast %get3A_30 : i32 to index
      %get3A_135 = arith.constant 0 : index
      %get3A_136 = vector.load %arg5[%get3A_134, %get3A_135] : memref<2048x2048xf32, #tpu.memory_space<vmem>>, vector<1x2048xf32>
      %sub3A_137 = arith.subf %get3A_133, %get3A_136 : vector<1x2048xf32>
      %mul3A_138 = arith.mulf %sub3A_137, %sub3A_137 : vector<1x2048xf32>
      %add3A_139 = arith.addf %scan3A_17, %mul3A_138 : vector<1x2048xf32>
      %mul3A_140 = arith.constant 16 : i32
      %mul3A_141 = arith.muli %scan3A_15, %mul3A_140 : i32
      %add3A_142 = arith.constant 2 : i32
      %add3A_143 = arith.addi %mul3A_141, %add3A_142 : i32
      %get3A_144 = arith.index_cast %add3A_143 : i32 to index
      %get3A_145 = arith.constant 0 : index
      %get3A_146 = vector.load %arg2[%get3A_144, %get3A_145] : memref<256x2048xf32, #tpu.memory_space<vmem>>, vector<1x2048xf32>
      %get3A_147 = arith.index_cast %get3A_36 : i32 to index
      %get3A_148 = arith.constant 0 : index
      %get3A_149 = vector.load %arg5[%get3A_147, %get3A_148] : memref<2048x2048xf32, #tpu.memory_space<vmem>>, vector<1x2048xf32>
      %sub3A_150 = arith.subf %get3A_146, %get3A_149 : vector<1x2048xf32>
      %mul3A_151 = arith.mulf %sub3A_150, %sub3A_150 : vector<1x2048xf32>
      %add3A_152 = arith.addf %scan3A_18, %mul3A_151 : vector<1x2048xf32>
      %mul3A_153 = arith.constant 16 : i32
      %mul3A_154 = arith.muli %scan3A_15, %mul3A_153 : i32
      %add3A_155 = arith.constant 3 : i32
      %add3A_156 = arith.addi %mul3A_154, %add3A_155 : i32
      %get3A_157 = arith.index_cast %add3A_156 : i32 to index
      %get3A_158 = arith.constant 0 : index
      %get3A_159 = vector.load %arg2[%get3A_157, %get3A_158] : memref<256x2048xf32, #tpu.memory_space<vmem>>, vector<1x2048xf32>
      %get3A_160 = arith.index_cast %get3A_42 : i32 to index
      %get3A_161 = arith.constant 0 : index
      %get3A_162 = vector.load %arg5[%get3A_160, %get3A_161] : memref<2048x2048xf32, #tpu.memory_space<vmem>>, vector<1x2048xf32>
      %sub3A_163 = arith.subf %get3A_159, %get3A_162 : vector<1x2048xf32>
      %mul3A_164 = arith.mulf %sub3A_163, %sub3A_163 : vector<1x2048xf32>
      %add3A_165 = arith.addf %scan3A_19, %mul3A_164 : vector<1x2048xf32>
      %mul3A_166 = arith.constant 16 : i32
      %mul3A_167 = arith.muli %scan3A_15, %mul3A_166 : i32
      %add3A_168 = arith.constant 4 : i32
      %add3A_169 = arith.addi %mul3A_167, %add3A_168 : i32
      %get3A_170 = arith.index_cast %add3A_169 : i32 to index
      %get3A_171 = arith.constant 0 : index
      %get3A_172 = vector.load %arg2[%get3A_170, %get3A_171] : memref<256x2048xf32, #tpu.memory_space<vmem>>, vector<1x2048xf32>
      %get3A_173 = arith.index_cast %get3A_48 : i32 to index
      %get3A_174 = arith.constant 0 : index
      %get3A_175 = vector.load %arg5[%get3A_173, %get3A_174] : memref<2048x2048xf32, #tpu.memory_space<vmem>>, vector<1x2048xf32>
      %sub3A_176 = arith.subf %get3A_172, %get3A_175 : vector<1x2048xf32>
      %mul3A_177 = arith.mulf %sub3A_176, %sub3A_176 : vector<1x2048xf32>
      %add3A_178 = arith.addf %add3A_126, %mul3A_177 : vector<1x2048xf32>
      %mul3A_179 = arith.constant 16 : i32
      %mul3A_180 = arith.muli %scan3A_15, %mul3A_179 : i32
      %add3A_181 = arith.constant 5 : i32
      %add3A_182 = arith.addi %mul3A_180, %add3A_181 : i32
      %get3A_183 = arith.index_cast %add3A_182 : i32 to index
      %get3A_184 = arith.constant 0 : index
      %get3A_185 = vector.load %arg2[%get3A_183, %get3A_184] : memref<256x2048xf32, #tpu.memory_space<vmem>>, vector<1x2048xf32>
      %get3A_186 = arith.index_cast %get3A_54 : i32 to index
      %get3A_187 = arith.constant 0 : index
      %get3A_188 = vector.load %arg5[%get3A_186, %get3A_187] : memref<2048x2048xf32, #tpu.memory_space<vmem>>, vector<1x2048xf32>
      %sub3A_189 = arith.subf %get3A_185, %get3A_188 : vector<1x2048xf32>
      %mul3A_190 = arith.mulf %sub3A_189, %sub3A_189 : vector<1x2048xf32>
      %add3A_191 = arith.addf %add3A_139, %mul3A_190 : vector<1x2048xf32>
      %mul3A_192 = arith.constant 16 : i32
      %mul3A_193 = arith.muli %scan3A_15, %mul3A_192 : i32
      %add3A_194 = arith.constant 6 : i32
      %add3A_195 = arith.addi %mul3A_193, %add3A_194 : i32
      %get3A_196 = arith.index_cast %add3A_195 : i32 to index
      %get3A_197 = arith.constant 0 : index
      %get3A_198 = vector.load %arg2[%get3A_196, %get3A_197] : memref<256x2048xf32, #tpu.memory_space<vmem>>, vector<1x2048xf32>
      %get3A_199 = arith.index_cast %get3A_60 : i32 to index
      %get3A_200 = arith.constant 0 : index
      %get3A_201 = vector.load %arg5[%get3A_199, %get3A_200] : memref<2048x2048xf32, #tpu.memory_space<vmem>>, vector<1x2048xf32>
      %sub3A_202 = arith.subf %get3A_198, %get3A_201 : vector<1x2048xf32>
      %mul3A_203 = arith.mulf %sub3A_202, %sub3A_202 : vector<1x2048xf32>
      %add3A_204 = arith.addf %add3A_152, %mul3A_203 : vector<1x2048xf32>
      %mul3A_205 = arith.constant 16 : i32
      %mul3A_206 = arith.muli %scan3A_15, %mul3A_205 : i32
      %add3A_207 = arith.constant 7 : i32
      %add3A_208 = arith.addi %mul3A_206, %add3A_207 : i32
      %get3A_209 = arith.index_cast %add3A_208 : i32 to index
      %get3A_210 = arith.constant 0 : index
      %get3A_211 = vector.load %arg2[%get3A_209, %get3A_210] : memref<256x2048xf32, #tpu.memory_space<vmem>>, vector<1x2048xf32>
      %get3A_212 = arith.index_cast %get3A_66 : i32 to index
      %get3A_213 = arith.constant 0 : index
      %get3A_214 = vector.load %arg5[%get3A_212, %get3A_213] : memref<2048x2048xf32, #tpu.memory_space<vmem>>, vector<1x2048xf32>
      %sub3A_215 = arith.subf %get3A_211, %get3A_214 : vector<1x2048xf32>
      %mul3A_216 = arith.mulf %sub3A_215, %sub3A_215 : vector<1x2048xf32>
      %add3A_217 = arith.addf %add3A_165, %mul3A_216 : vector<1x2048xf32>
      %mul3A_218 = arith.constant 16 : i32
      %mul3A_219 = arith.muli %scan3A_15, %mul3A_218 : i32
      %add3A_220 = arith.constant 8 : i32
      %add3A_221 = arith.addi %mul3A_219, %add3A_220 : i32
      %get3A_222 = arith.index_cast %add3A_221 : i32 to index
      %get3A_223 = arith.constant 0 : index
      %get3A_224 = vector.load %arg2[%get3A_222, %get3A_223] : memref<256x2048xf32, #tpu.memory_space<vmem>>, vector<1x2048xf32>
      %get3A_225 = arith.index_cast %get3A_72 : i32 to index
      %get3A_226 = arith.constant 0 : index
      %get3A_227 = vector.load %arg5[%get3A_225, %get3A_226] : memref<2048x2048xf32, #tpu.memory_space<vmem>>, vector<1x2048xf32>
      %sub3A_228 = arith.subf %get3A_224, %get3A_227 : vector<1x2048xf32>
      %mul3A_229 = arith.mulf %sub3A_228, %sub3A_228 : vector<1x2048xf32>
      %add3A_230 = arith.addf %add3A_178, %mul3A_229 : vector<1x2048xf32>
      %mul3A_231 = arith.constant 16 : i32
      %mul3A_232 = arith.muli %scan3A_15, %mul3A_231 : i32
      %add3A_233 = arith.constant 9 : i32
      %add3A_234 = arith.addi %mul3A_232, %add3A_233 : i32
      %get3A_235 = arith.index_cast %add3A_234 : i32 to index
      %get3A_236 = arith.constant 0 : index
      %get3A_237 = vector.load %arg2[%get3A_235, %get3A_236] : memref<256x2048xf32, #tpu.memory_space<vmem>>, vector<1x2048xf32>
      %get3A_238 = arith.index_cast %get3A_78 : i32 to index
      %get3A_239 = arith.constant 0 : index
      %get3A_240 = vector.load %arg5[%get3A_238, %get3A_239] : memref<2048x2048xf32, #tpu.memory_space<vmem>>, vector<1x2048xf32>
      %sub3A_241 = arith.subf %get3A_237, %get3A_240 : vector<1x2048xf32>
      %mul3A_242 = arith.mulf %sub3A_241, %sub3A_241 : vector<1x2048xf32>
      %add3A_243 = arith.addf %add3A_191, %mul3A_242 : vector<1x2048xf32>
      %mul3A_244 = arith.constant 16 : i32
      %mul3A_245 = arith.muli %scan3A_15, %mul3A_244 : i32
      %add3A_246 = arith.constant 10 : i32
      %add3A_247 = arith.addi %mul3A_245, %add3A_246 : i32
      %get3A_248 = arith.index_cast %add3A_247 : i32 to index
      %get3A_249 = arith.constant 0 : index
      %get3A_250 = vector.load %arg2[%get3A_248, %get3A_249] : memref<256x2048xf32, #tpu.memory_space<vmem>>, vector<1x2048xf32>
      %get3A_251 = arith.index_cast %get3A_84 : i32 to index
      %get3A_252 = arith.constant 0 : index
      %get3A_253 = vector.load %arg5[%get3A_251, %get3A_252] : memref<2048x2048xf32, #tpu.memory_space<vmem>>, vector<1x2048xf32>
      %sub3A_254 = arith.subf %get3A_250, %get3A_253 : vector<1x2048xf32>
      %mul3A_255 = arith.mulf %sub3A_254, %sub3A_254 : vector<1x2048xf32>
      %add3A_256 = arith.addf %add3A_204, %mul3A_255 : vector<1x2048xf32>
      %mul3A_257 = arith.constant 16 : i32
      %mul3A_258 = arith.muli %scan3A_15, %mul3A_257 : i32
      %add3A_259 = arith.constant 11 : i32
      %add3A_260 = arith.addi %mul3A_258, %add3A_259 : i32
      %get3A_261 = arith.index_cast %add3A_260 : i32 to index
      %get3A_262 = arith.constant 0 : index
      %get3A_263 = vector.load %arg2[%get3A_261, %get3A_262] : memref<256x2048xf32, #tpu.memory_space<vmem>>, vector<1x2048xf32>
      %get3A_264 = arith.index_cast %get3A_90 : i32 to index
      %get3A_265 = arith.constant 0 : index
      %get3A_266 = vector.load %arg5[%get3A_264, %get3A_265] : memref<2048x2048xf32, #tpu.memory_space<vmem>>, vector<1x2048xf32>
      %sub3A_267 = arith.subf %get3A_263, %get3A_266 : vector<1x2048xf32>
      %mul3A_268 = arith.mulf %sub3A_267, %sub3A_267 : vector<1x2048xf32>
      %add3A_269 = arith.addf %add3A_217, %mul3A_268 : vector<1x2048xf32>
      %mul3A_270 = arith.constant 16 : i32
      %mul3A_271 = arith.muli %scan3A_15, %mul3A_270 : i32
      %add3A_272 = arith.constant 12 : i32
      %add3A_273 = arith.addi %mul3A_271, %add3A_272 : i32
      %get3A_274 = arith.index_cast %add3A_273 : i32 to index
      %get3A_275 = arith.constant 0 : index
      %get3A_276 = vector.load %arg2[%get3A_274, %get3A_275] : memref<256x2048xf32, #tpu.memory_space<vmem>>, vector<1x2048xf32>
      %get3A_277 = arith.index_cast %get3A_96 : i32 to index
      %get3A_278 = arith.constant 0 : index
      %get3A_279 = vector.load %arg5[%get3A_277, %get3A_278] : memref<2048x2048xf32, #tpu.memory_space<vmem>>, vector<1x2048xf32>
      %sub3A_280 = arith.subf %get3A_276, %get3A_279 : vector<1x2048xf32>
      %mul3A_281 = arith.mulf %sub3A_280, %sub3A_280 : vector<1x2048xf32>
      %add3A_282 = arith.addf %add3A_230, %mul3A_281 : vector<1x2048xf32>
      %mul3A_283 = arith.constant 16 : i32
      %mul3A_284 = arith.muli %scan3A_15, %mul3A_283 : i32
      %add3A_285 = arith.constant 13 : i32
      %add3A_286 = arith.addi %mul3A_284, %add3A_285 : i32
      %get3A_287 = arith.index_cast %add3A_286 : i32 to index
      %get3A_288 = arith.constant 0 : index
      %get3A_289 = vector.load %arg2[%get3A_287, %get3A_288] : memref<256x2048xf32, #tpu.memory_space<vmem>>, vector<1x2048xf32>
      %get3A_290 = arith.index_cast %get3A_102 : i32 to index
      %get3A_291 = arith.constant 0 : index
      %get3A_292 = vector.load %arg5[%get3A_290, %get3A_291] : memref<2048x2048xf32, #tpu.memory_space<vmem>>, vector<1x2048xf32>
      %sub3A_293 = arith.subf %get3A_289, %get3A_292 : vector<1x2048xf32>
      %mul3A_294 = arith.mulf %sub3A_293, %sub3A_293 : vector<1x2048xf32>
      %add3A_295 = arith.addf %add3A_243, %mul3A_294 : vector<1x2048xf32>
      %mul3A_296 = arith.constant 16 : i32
      %mul3A_297 = arith.muli %scan3A_15, %mul3A_296 : i32
      %add3A_298 = arith.constant 14 : i32
      %add3A_299 = arith.addi %mul3A_297, %add3A_298 : i32
      %get3A_300 = arith.index_cast %add3A_299 : i32 to index
      %get3A_301 = arith.constant 0 : index
      %get3A_302 = vector.load %arg2[%get3A_300, %get3A_301] : memref<256x2048xf32, #tpu.memory_space<vmem>>, vector<1x2048xf32>
      %get3A_303 = arith.index_cast %get3A_108 : i32 to index
      %get3A_304 = arith.constant 0 : index
      %get3A_305 = vector.load %arg5[%get3A_303, %get3A_304] : memref<2048x2048xf32, #tpu.memory_space<vmem>>, vector<1x2048xf32>
      %sub3A_306 = arith.subf %get3A_302, %get3A_305 : vector<1x2048xf32>
      %mul3A_307 = arith.mulf %sub3A_306, %sub3A_306 : vector<1x2048xf32>
      %add3A_308 = arith.addf %add3A_256, %mul3A_307 : vector<1x2048xf32>
      %mul3A_309 = arith.constant 16 : i32
      %mul3A_310 = arith.muli %scan3A_15, %mul3A_309 : i32
      %add3A_311 = arith.constant 15 : i32
      %add3A_312 = arith.addi %mul3A_310, %add3A_311 : i32
      %get3A_313 = arith.index_cast %add3A_312 : i32 to index
      %get3A_314 = arith.constant 0 : index
      %get3A_315 = vector.load %arg2[%get3A_313, %get3A_314] : memref<256x2048xf32, #tpu.memory_space<vmem>>, vector<1x2048xf32>
      %get3A_316 = arith.index_cast %get3A_114 : i32 to index
      %get3A_317 = arith.constant 0 : index
      %get3A_318 = vector.load %arg5[%get3A_316, %get3A_317] : memref<2048x2048xf32, #tpu.memory_space<vmem>>, vector<1x2048xf32>
      %sub3A_319 = arith.subf %get3A_315, %get3A_318 : vector<1x2048xf32>
      %mul3A_320 = arith.mulf %sub3A_319, %sub3A_319 : vector<1x2048xf32>
      %add3A_321 = arith.addf %add3A_269, %mul3A_320 : vector<1x2048xf32>
      scf.yield %add3A_282, %add3A_295, %add3A_308, %add3A_321 : vector<1x2048xf32>, vector<1x2048xf32>, vector<1x2048xf32>, vector<1x2048xf32>
    }
    %scan3A_7 = arith.constant 16 : i32
    %get3A = arith.constant 0 : index
    %get3A_8 = arith.constant 0 : index
    %get3A_9 = vector.load %arg4[%get3A, %get3A_8] : memref<1x2048xf32, #tpu.memory_space<vmem>>, vector<1x2048xf32>
    %add3A = arith.addf %scan3A_6#0, %scan3A_6#1 : vector<1x2048xf32>
    %add3A_10 = arith.addf %scan3A_6#2, %scan3A_6#3 : vector<1x2048xf32>
    %add3A_11 = arith.addf %add3A, %add3A_10 : vector<1x2048xf32>
    %add3A_12 = arith.addf %get3A_9, %add3A_11 : vector<1x2048xf32>
    %swap3A = arith.constant 0 : index
    %swap3A_13 = arith.constant 0 : index
    %swap3A_14 = vector.load %arg4[%swap3A, %swap3A_13] : memref<1x2048xf32, #tpu.memory_space<vmem>>, vector<1x2048xf32>
    tpu.vector_store %arg4[%swap3A, %swap3A_13], %add3A_12 {strides = array<i32>} : memref<1x2048xf32, #tpu.memory_space<vmem>>, vector<1x2048xf32>,
    return
  }
  func.func @transform_0(%arg0: i32) -> i32 {
    %add3A = arith.constant 32 : i32
    %add3A_0 = arith.addi %arg0, %add3A : i32
    %c0_i32 = arith.constant 0 : i32
    return %add3A_0 : i32
  }
  func.func @transform_1(%arg0: i32) -> (i32, i32) {
    %add3A = arith.constant 32 : i32
    %add3A_0 = arith.addi %arg0, %add3A : i32
    %c0_i32 = arith.constant 0 : i32
    %c0_i32_1 = arith.constant 0 : i32
    return %add3A_0, %c0_i32 : i32, i32
  }
  func.func @transform_3(%arg0: i32) -> (i32, i32) {
    %c0_i32 = arith.constant 0 : i32
    %c0_i32_0 = arith.constant 0 : i32
    %c0_i32_1 = arith.constant 0 : i32
    return %c0_i32, %c0_i32_0 : i32, i32
  }
}

</mosaic_0001>

<sc_bundles>
// kernel: kernel.4.cloned.1.call-start
scs
__scs_entry_jumppad:
0x0: {  	(pc) =	sbr.rel $0x88, $3  }
0x1: {  	(tag) =	ssettag $0x0;
	lr =	simm.s32 $0x1  }
0x2: {  	[smem:$0x3F9E] =	sst lr;
	_ =	strace $0xD0000000  }
0x3: {  	_ = 	snop  }
0x4: {  	_ = 	snop  }
0x5: {  	_ = 	snop  }
0x6: {  	_ = 	snop  }
0x7: {  	_ = 	snop  }
__scs_overlays_trampoline_lowered:
0x8: {  	[smem:$0x3FAD] =	sst s0  }
0x9: {  	[smem:$0x3FAE] =	sst s1  }
0xa: {  	[smem:$0x3FAF] =	sst s2  }
0xb: {  	[smem:$0x3FB0] =	sst s3  }
0xc: {  	[smem:$0x3FB1] =	sst s4  }
0xd: {  	[smem:$0x3FB2] =	sst s5  }
0xe: {  	[smem:$0x3FB3] =	sst s6  }
0xf: {  	[smem:$0x3FB4] =	sst s7  }
0x10: {  	[smem:$0x3FB5] =	sst s8  }
0x11: {  	[smem:$0x3FB6] =	sst s9;
	s0 =	simm.s32 @!p0 $0x0  }
0x12: {  	s1 =	sld [smem:$0x3F9C];
	s0 =	simm.s32 @p0 $0x1  }
0x13: {  	[smem:$0x3FB7] =	sst s0;
	s0 =	simm.s32 @!p1 $0x0  }
0x14: {  	s2 =	sld [smem:$0x3F9B];
	s0 =	simm.s32 @p1 $0x1  }
0x15: {  	[smem:$0x3FB8] =	sst s0;
	s0 =	simm.s32 @!p2 $0x0  }
0x16: {  	s3 =	sld [smem:$0x3FDB];
	s0 =	simm.s32 @p2 $0x1  }
0x17: {  	s4 =	simm.s32 $0x1BF5;
	[smem:$0x3FBA] =	sst s0  }
0x18: {  	s0 =	sld [smem:$0x3F9D];
	_ =	swait.ge [sflag:s4], $0x0  }
0x19: {  	s7 =	sld [smem:$0x3F9E]  }
0x1a: {  	s8 =	sadd.s32 $0xFFFFE003, lr  }
0x1b: {  	s9 =	sadd.s32 $0xFFFFFEF7, lr;
	s5 =	simm.s32 $0xFFFFFFFF;
	p2 =	slt.u32 s8, $0xFFFFF086  }
0x1c: {  	p1 =	slt.u32 s9, $0xF7A;
	s5 =	simm.s32 @!p2 $0x0  }
0x1d: {  	s5 =	simm.s32 @p1 $0x1;
	p0 =	seq.s32 s7, s2  }
0x1e: {  	s7 =	smul.u32 @!p0 $0xF7A, s2;
	p2 =	seq.s32 @!p0 s5, $0x0  }
0x1f: {  	s9 =	smul.u32 $0xF7A, s1;
	s8 =	simm.s32 @!p0 $0x1BF5;
	p2 =	por !p2, p0  }
0x20: {  	[sflag:s8] =	ssyncset.s32 @!p0 $0xFFFFF086;
	s6 =	sadd.s32 @!p0 s3, s7;
	s7 =	simm.s32 @!p0 $0x108  }
0x21: {  	s3 =	sadd.s32 s3, s9;
	s6 =	sadd.s32 @!p0 $0x88, s6;
	s7 =	simm.s32 @p2 $0x1082  }
0x22: {  	[simem:s7], [sflag:s8] =	dma.local @!p0 [hbm:s6], $0xF7A  }
0x23: {  	s9 =	sor.u32 $0xD0000000, s2;
	s6 =	simm.s32 $0x108;
	_ =	swait.ge @!p0 [sflag:s8], $0x0  }
0x24: {  	s3 =	sadd.s32 $0x88, s3;
	s6 =	simm.s32 @!p1 $0x1082;
	[sflag:s4] =	ssyncset.s32 $0xFFFFF086  }
0x25: {  	[simem:s6], [sflag:s4] =	dma.local [hbm:s3], $0xF7A  }
0x26: {  	[smem:$0x3F9E] =	sst s1;
	(tag) =	ssettag s2;
	_ =	strace s9  }
0x27: {  	s1 =	sld [smem:$0x3FAE]  }
0x28: {  	s2 =	sld [smem:$0x3FAF]  }
0x29: {  	s4 =	sld [smem:$0x3FB1]  }
0x2a: {  	p0 =	seq.s32 s5, $0x0;
	s5 =	sld [smem:$0x3FB2]  }
0x2b: {  	s6 =	sld [smem:$0x3FB3]  }
0x2c: {  	s7 =	sld [smem:$0x3FB4]  }
0x2d: {  	s3 =	simm.s32 $0x108;
	s8 =	sld [smem:$0x3FB5]  }
0x2e: {  	s3 =	simm.s32 @!p0 $0x1082;
	s9 =	sld [smem:$0x3FB6]  }
0x2f: {  	lr =	sadd.s32 s0, s3;
	s0 =	sld [smem:$0x3FAD]  }
0x30: {  	s3 =	sld [smem:$0x3FB0]  }
0x31: {  	[smem:$0x3FB9] =	sst s10  }
0x32: {  	s10 =	sld [smem:$0x3FB7];
	_ =	sdelay $0x3  }
0x33: {  	p0 =	seq.s32 s10, $0x1;
	s10 =	sld [smem:$0x3FB9];
	_ =	sdelay $0x3  }
0x34: {  	[smem:$0x3FB9] =	sst s10  }
0x35: {  	s10 =	sld [smem:$0x3FB8];
	_ =	sdelay $0x3  }
0x36: {  	p1 =	seq.s32 s10, $0x1;
	s10 =	sld [smem:$0x3FB9];
	_ =	sdelay $0x3  }
0x37: {  	[smem:$0x3FB9] =	sst s10  }
0x38: {  	s10 =	sld [smem:$0x3FBA]  }
0x39: {  	_ = 	snop;
	(pc) =	sbr.ind lr, $3  }
0x3a: {  	_ = 	snop  }
0x3b: {  	_ = 	snop  }
0x3c: {  	p2 =	seq.s32 s10, $0x1;
	s10 =	sld [smem:$0x3FB9]  }
0x3d: {  	_ =	shalt  }
0x3e: {  	_ =	shalt  }
0x3f: {  	_ =	shalt  }
0x40: {  	_ =	shalt  }
0x41: {  	_ =	shalt  }
0x42: {  	_ =	shalt  }
0x43: {  	_ =	shalt  }
0x44: {  	_ =	shalt  }
0x45: {  	_ =	shalt  }
0x46: {  	_ =	shalt  }
0x47: {  	_ =	shalt  }
0x48: {  	_ =	shalt  }
0x49: {  	_ =	shalt  }
0x4a: {  	_ =	shalt  }
0x4b: {  	_ =	shalt  }
0x4c: {  	_ =	shalt  }
0x4d: {  	_ =	shalt  }
0x4e: {  	_ =	shalt  }
0x4f: {  	_ =	shalt  }
0x50: {  	_ =	shalt  }
0x51: {  	_ =	shalt  }
0x52: {  	_ =	shalt  }
0x53: {  	_ =	shalt  }
0x54: {  	_ =	shalt  }
0x55: {  	_ =	shalt  }
0x56: {  	_ =	shalt  }
0x57: {  	_ =	shalt  }
0x58: {  	_ =	shalt  }
0x59: {  	_ =	shalt  }
0x5a: {  	_ =	shalt  }
0x5b: {  	_ =	shalt  }
0x5c: {  	_ =	shalt  }
0x5d: {  	_ =	shalt  }
0x5e: {  	_ =	shalt  }
0x5f: {  	_ =	shalt  }
0x60: {  	_ =	shalt  }
0x61: {  	_ =	shalt  }
0x62: {  	_ =	shalt  }
0x63: {  	_ =	shalt  }
0x64: {  	_ =	shalt  }
0x65: {  	_ =	shalt  }
0x66: {  	_ =	shalt  }
0x67: {  	_ =	shalt  }
0x68: {  	_ =	shalt  }
0x69: {  	_ =	shalt  }
0x6a: {  	_ =	shalt  }
0x6b: {  	_ =	shalt  }
0x6c: {  	_ =	shalt  }
0x6d: {  	_ =	shalt  }
0x6e: {  	_ =	shalt  }
0x6f: {  	_ =	shalt  }
0x70: {  	_ =	shalt  }
0x71: {  	_ =	shalt  }
0x72: {  	_ =	shalt  }
0x73: {  	_ =	shalt  }
0x74: {  	_ =	shalt  }
0x75: {  	_ =	shalt  }
0x76: {  	_ =	shalt  }
0x77: {  	_ =	shalt  }
0x78: {  	_ =	shalt  }
0x79: {  	_ =	shalt  }
0x7a: {  	_ =	shalt  }
0x7b: {  	_ =	shalt  }
0x7c: {  	_ =	shalt  }
0x7d: {  	_ =	shalt  }
0x7e: {  	_ =	shalt  }
0x7f: {  	_ =	shalt  }
0x80: {  	_ =	shalt  }
0x81: {  	_ =	shalt  }
0x82: {  	_ =	shalt  }
0x83: {  	_ =	shalt  }
0x84: {  	_ =	shalt  }
0x85: {  	_ =	shalt  }
0x86: {  	_ =	shalt  }
0x87: {  	_ =	shalt  }
.Lfunc_end0:
.L_simem_size_0:
called_computation_lowered:
.L_overlay_start_0:
0x88: {  	s2 =	sld [smem:$0x3FD9]  }
0x89: {  	s3 =	sld [smem:$0x3FFE];
	_ =	sdelay $0x1  }
0x8a: {  	s1 =	srdreg.scid  }
0x8b: {  	s0 =	sand.u32 $0x1, s1  }
0x8c: {  	s17 =	sshll.u32 s0, $0xA;
	s2 =	sadd.s32 s3, s2  }
0x8d: {  	s2 =	sadd.s32 s2, s17  }
0x8e: {  	[smem:$0x3FC5] =	sst s2  }
0x8f: {  	_ = 	snop  }
0x90: {  	s2 =	sld [smem:$0x3FC9]  }
0x91: {  	s18 =	sld [smem:$0x3FC8]  }
0x92: {  	s4 =	sld [smem:$0x3FC7];
	(tm) =	ssettm $0x1  }
0x93: {  	s5 =	sld [smem:$0x3FFB];
	_ =	sdelay $0x3  }
0x94: {  	_ =	strace s5  }
0x95: {  	s5 =	sld [smem:$0x3FFC];
	_ =	sdelay $0x3  }
0x96: {  	_ =	strace s5  }
0x97: {  	s5 =	sld [smem:$0x3FFD];
	_ =	sdelay $0x3  }
0x98: {  	_ =	strace s5  }
0x99: {  	_ =	strace $0x8FFFFFFF  }
0x9a: {  	s19 =	sld [smem:$0x3FDB];
	_ =	sdelay $0x1  }
0x9b: {  	s6 =	simm.s32 $_scs_section_size  }
0x9c: {  	s7 =	simm.s32 $_size__tile_overlayer_lowered;
	s8 =	simm.s32 $_tile_overlayer_lowered  }
0x9d: {  	s22 =	simm.s32 $0x1BFF;
	s21 =	sshll.u32 s8, $0x1;
	s5 =	sadd.s32 s6, s19  }
0x9e: {  	s9 =	simm.s32 $0x0;
	s20 =	sshll.u32 s7, $0x1;
	s7 =	sadd.s32 s21, s5  }
0x9f: {  	[timem:s9], [sflag:s22] =	dma.local [hbm:s7], s20  }
0xa0: {  	_ =	swait.ge [sflag:s22], s20  }
0xa1: {  	s6 =	ssub.s32 $0x0, s20;
	[sflag:s22] =	ssyncset.done $0x0  }
0xa2: {  	[sflag:s22] =	ssyncadd.s32 s6;
	_ =	sdelay $0x1  }
0xa3: {  	s23 =	simm.s32 $0x1B8B  }
0xa4: {  	_ =	swait.ge [sflag:s23], $0x1  }
0xa5: {  	[sflag:s23] =	ssyncset.done $0x0  }
0xa6: {  	s25 =	simm.s32 $0x1B8E;
	s24 =	sld [smem:$0x3FFE];
	[sflag:s23] =	ssyncadd.s32 $0xFFFFFFFF  }
0xa7: {  	s26 =	simm.s32 $execute0_lowered;
	[smem:$0x3FD2] =	sst s25  }
0xa8: {  	s7 =	sshll.u32 s26, $0x1;
	_ =	strace $0x80000046;
	[dreg:$0x1] =	wrdreg $0xFFFFFFFF  }
0xa9: {  	s28 =	simm.s32 $_size_execute0_lowered;
	s5 =	sadd.s32 s5, s7;
	[dreg:$0x0] =	wrdreg $0x0  }
0xaa: {  	s7 =	sshll.u32 s28, $0x1;
	[dreg:$0x2] =	wrdreg s5  }
0xab: {  	[dreg:$0x3] =	wrdreg s7  }
0xac: {  	[dreg:$0x4] =	wrdreg $0xC0  }
0xad: {  	_ =	task [dreg:s9], $0x5FFFF  }
0xae: {  	[dreg:$0x1] =	wrdreg $0xFFFFFFFF  }
0xaf: {  	[dreg:$0x0] =	wrdreg $0x60  }
0xb0: {  	[dreg:$0x2] =	wrdreg s2  }
0xb1: {  	[dreg:$0x3] =	wrdreg s18  }
0xb2: {  	[dreg:$0x4] =	wrdreg s4  }
0xb3: {  	[dreg:$0x5] =	wrdreg s24  }
0xb4: {  	[dreg:$0x6] =	wrdreg $0x9  }
0xb5: {  	_ =	task.clear_ibuf [dreg:s9], $0x7FFFF;
	_ =	strace $0x90000046  }
0xb6: {  	s29 =	simm.s32 $0x9;
	_ =	strace $0x80000048  }
0xb7: {  	_ =	swait.ge [sflag:s29], $0x1  }
0xb8: {  	[sflag:s29] =	ssyncadd.s32 $0xFFFFFFFF  }
0xb9: {  	_ =	strace $0x90000048  }
0xba: {  	_ =	sfence  }
0xbb: {  	s30 =	sld [smem:$0x0];
	_ =	sdelay $0x2  }
0xbc: {  	s31 =	sshll.u32 s1, $0xD;
	s1 =	sshrl.u32 s1, $0x2  }
0xbd: {  	s3 =	sand.u32 $0x4000, s31;
	s1 =	sadd.s32 s1, s30  }
0xbe: {  	s0 =	sor.u32 s3, s0;
	s1 =	sshll.u32 s1, $0x11  }
0xbf: {  	s0 =	sor.u32 s1, s0  }
0xc0: {  	s0 =	sadd.s32 $0x8F2B, s0  }
0xc1: {  	[sflag:s0] =	ssyncadd.remote.s32 $0x1  }
0xc2: {  	_ =	sfence.sel $0xFFFF  }
0xc3: {  	[dreg:$0x0] =	wrdreg $0xFFFFFFFF;
	(pc) =	sbr.abs _section_cstart, $3  }
0xc4: {  	[dreg:$0x1] =	wrdreg $0xFFFFFFFF  }
0xc5: {  	_ =	task.clear_ibuf [dreg:s9], $0x2FFFF;
	_ =	strace $0x9FFFFFFF  }
0xc6: {  	(tm) =	ssettm $0x7FFFFFFF  }
0xc7: {  	_ =	shalt  }
tec
execute0_lowered:
.L_overlay_start_1:
0x0: {  	(tag) =	ssettag $0x1  }
0x1: {  	s1 =	rddreg [dreg:$0x0]  }
0x2: {  	s0 =	rddreg [dreg:$0x1]  }
0x3: {  	s3 =	rddreg [dreg:$0x2]  }
0x4: {  	s2 =	rddreg [dreg:$0x3]  }
0x5: {  	s4 =	srdreg.scid;
	s6 =	stileid.u32  }
0x6: {  	s15 =	simm.s32 $0x0;
	s29 =	simm.s32 $0xC000;
	s30 =	simm.s32 $0xC800  }
0x7: {  	s31 =	simm.s32 $0xD000;
	s17 =	simm.s32 $0xE800;
	s19 =	simm.s32 $0xF000  }
0x8: {  	s20 =	simm.s32 $0xF800;
	s21 =	simm.s32 $0x1;
	s22 =	simm.s32 $0x3  }
0x9: {  	s4 =	sand.u32 $0x1, s4;
	s6 =	sshll.u32 s6, $0x1;
	[smem:$0x7FF] =	sst s15  }
0xa: {  	s8 =	sadd.s32 $0x100, s3;
	s9 =	sadd.s32 $0x200, s3;
	s10 =	sadd.s32 $0x300, s3  }
0xb: {  	s11 =	sadd.s32 $0x400, s3;
	s12 =	sadd.s32 $0x500, s3;
	s13 =	sadd.s32 $0x600, s3  }
0xc: {  	s14 =	sadd.s32 $0x700, s3;
	s5 =	ssub.s32 $0x2, s4;
	s4 =	sor.u32 s4, s6  }
0xd: {  	_ =	strace $0x80000047;
	s6 =	simm.s32 $0x0;
	s7 =	sshrl.u32 s5, $0x1  }
0xe: {  	s24 =	sshll.u32 s4, $0x5;
	s25 =	sshll.u32 s4, $0x10;
	s26 =	sshll.u32 s4, $0x4  }
0xf: {  	s23 =	ssub.s32 s5, s7;
	s5 =	sshll.u32 s4, $0x8;
	s0 =	sadd.s32 s0, s24  }
0x10: {  	s7 =	simm.s32 $0x5;
	[dreg:$0x5] =	wrdreg s0;
	s0 =	sadd.s32 s1, s25  }
0x11: {  	v0 =	vlaneseq.u32;
	s24 =	simm.s32 $0x4;
	s28 =	smax.u32 s23, $0x1;
	[dreg:$0x6] =	wrdreg s0  }
0x12: {  	v1 =	vshrl.u32 v0, $0x3;
	s23 =	simm.s32 $0x2;
	s0 =	sadd.s32 s2, s26;
	[dreg:$0x8] =	wrdreg s28  }
0x13: {  	vm0 =	vmmov $0xffff;
	v0 =	vand.u32 $0x7, v0;
	v1 =	vmul.u32 $0x8, v1;
	s2 =	simm.s32 $0xE000;
	[dreg:$0x7] =	wrdreg s0;
	s0 =	simm.s32 $0xD800  }
.LBB2_1:
0x14: {  	[dreg:$0x9] =	wrdreg s6  }
0x15: {  	s4 =	rddreg [dreg:$0x5];
	s25 =	simm.s32 $0x10000  }
0x16: {  	[tilespmem:s25], [sflag:$0x5] =	stream.linear.gather [hbm4b:s4+s15], $0x100, $0x38;
	[tilespmem:$0x10180] =	vst v63  }
0x17: {  	_ =	swait.ge [sflag:s7], $0x100  }
0x18: {  	[sflag:s7] =	ssyncset.done $0x0  }
0x19: {  	s26 =	rddreg [dreg:$0x6];
	[sflag:s7] =	ssyncadd.s32 $0xFFFFFF00  }
0x1a: {  	[tilespmem:s15], [sflag:$0x1] =	stream.linear.gather [hbm4b:s26+s15], $0x4000, $0x38;
	[tilespmem:$0x10180] =	vst v63  }
0x1b: {  	v2 =	vld.msk [tilespmem:$0x10000], $0xff;
	_ =	sdelay $0x4  }
0x1c: {  	v3 =	vshll.u32 v2, $0x4  }
0x1d: {  	v2 =	vand.u32 $0x7, v2;
	v3 =	vand.u32 $0xFFFFFF80, v3  }
0x1e: {  	v2 =	vor.u32 v2, v3  }
0x1f: {  	v2 =	vperm.xlane v2, v0;
	_ =	sdelay $0x1  }
0x20: {  	v2 =	vadd.s32 v1, v2;
	_ =	sdelay $0x3  }
0x21: {  	s28 =	simm.s32 $0x8000  }
0x22: {  	[tilespmem:s28], [sflag:$0x3] =	stream.indirect_vreg.gather [hbm4b:s3+s15], $0x80, v2, vm0, $0xb8;
	[tilespmem:$0x10180] =	vst v63  }
0x23: {  	s6 =	simm.s32 $0x8800  }
0x24: {  	[tilespmem:s6], [sflag:$0x3] =	stream.indirect_vreg.gather [hbm4b:s8+s15], $0x80, v2, vm0, $0xb8;
	[tilespmem:$0x10180] =	vst v63  }
0x25: {  	s7 =	simm.s32 $0x9000  }
0x26: {  	[tilespmem:s7], [sflag:$0x3] =	stream.indirect_vreg.gather [hbm4b:s9+s15], $0x80, v2, vm0, $0xb8;
	[tilespmem:$0x10180] =	vst v63  }
0x27: {  	s16 =	simm.s32 $0x9800  }
0x28: {  	[tilespmem:s16], [sflag:$0x3] =	stream.indirect_vreg.gather [hbm4b:s10+s15], $0x80, v2, vm0, $0xb8;
	[tilespmem:$0x10180] =	vst v63  }
0x29: {  	s18 =	simm.s32 $0xA000  }
0x2a: {  	[tilespmem:s18], [sflag:$0x3] =	stream.indirect_vreg.gather [hbm4b:s11+s15], $0x80, v2, vm0, $0xb8;
	[tilespmem:$0x10180] =	vst v63  }
0x2b: {  	s25 =	simm.s32 $0xA800  }
0x2c: {  	[tilespmem:s25], [sflag:$0x3] =	stream.indirect_vreg.gather [hbm4b:s12+s15], $0x80, v2, vm0, $0xb8;
	[tilespmem:$0x10180] =	vst v63  }
0x2d: {  	s26 =	simm.s32 $0xB000  }
0x2e: {  	v8 =	vimm.f32 $0.0e+00;
	v4 =	vimm.f32 $0.0e+00;
	[tilespmem:s26], [sflag:$0x3] =	stream.indirect_vreg.gather [hbm4b:s13+s15], $0x80, v2, vm0, $0xb8;
	[tilespmem:$0x10180] =	vst v63  }
0x2f: {  	v5 =	vimm.f32 $0.0e+00;
	v7 =	vimm.f32 $0.0e+00;
	v6 =	vimm.f32 $0.0e+00;
	s28 =	simm.s32 $0xB800;
	s25 =	simm.s32 $0x0  }
0x30: {  	v9 =	vimm.f32 $0.0e+00;
	v3 =	vimm.f32 $0.0e+00;
	[tilespmem:s28], [sflag:$0x3] =	stream.indirect_vreg.gather [hbm4b:s14+s15], $0x80, v2, vm0, $0xb8;
	v2 =	vimm.f32 $0.0e+00;
	[tilespmem:$0x10180] =	vst v63  }
.LBB2_2:
0x31: {  	s6 =	sshll.u32 s25, $0x4  }
0x32: {  	s4 =	sadd.s32 s6, s5  }
0x33: {  	s4 =	sshll.u32 s4, $0x8  }
0x34: {  	s4 =	sadd.s32 s1, s4  }
0x35: {  	s7 =	simm.s32 $0x0;
	s15 =	simm.s32 $0x4000;
	s4 =	sadd.s32 $0x800, s4  }
0x36: {  	[tilespmem:s15], [sflag:$0x2] =	stream.linear.gather [hbm4b:s4+s7], $0x4000, $0x38;
	[tilespmem:$0x10180] =	vst v63  }
0x37: {  	v10 =	vld.msk [tilespmem:s6+$0x10008], $0xff;
	_ =	sdelay $0x4  }
0x38: {  	v11 =	vshll.u32 v10, $0x4  }
0x39: {  	v10 =	vand.u32 $0x7, v10;
	v11 =	vand.u32 $0xFFFFFF80, v11  }
0x3a: {  	v10 =	vor.u32 v10, v11  }
0x3b: {  	v10 =	vperm.xlane v10, v0;
	_ =	sdelay $0x1  }
0x3c: {  	v10 =	vadd.s32 v1, v10;
	_ =	sdelay $0x4  }
0x3d: {  	[tilespmem:s29], [sflag:$0x4] =	stream.indirect_vreg.gather [hbm4b:s3+s7], $0x80, v10, vm0, $0xb8;
	[tilespmem:$0x10180] =	vst v63  }
0x3e: {  	_ = 	snop  }
0x3f: {  	[tilespmem:s30], [sflag:$0x4] =	stream.indirect_vreg.gather [hbm4b:s8+s7], $0x80, v10, vm0, $0xb8;
	[tilespmem:$0x10180] =	vst v63  }
0x40: {  	_ = 	snop  }
0x41: {  	[tilespmem:s31], [sflag:$0x4] =	stream.indirect_vreg.gather [hbm4b:s9+s7], $0x80, v10, vm0, $0xb8;
	[tilespmem:$0x10180] =	vst v63  }
0x42: {  	_ = 	snop  }
0x43: {  	[tilespmem:s0], [sflag:$0x4] =	stream.indirect_vreg.gather [hbm4b:s10+s7], $0x80, v10, vm0, $0xb8;
	[tilespmem:$0x10180] =	vst v63  }
0x44: {  	_ = 	snop  }
0x45: {  	[tilespmem:s2], [sflag:$0x4] =	stream.indirect_vreg.gather [hbm4b:s11+s7], $0x80, v10, vm0, $0xb8;
	[tilespmem:$0x10180] =	vst v63  }
0x46: {  	_ = 	snop  }
0x47: {  	[tilespmem:s17], [sflag:$0x4] =	stream.indirect_vreg.gather [hbm4b:s12+s7], $0x80, v10, vm0, $0xb8;
	[tilespmem:$0x10180] =	vst v63  }
0x48: {  	_ = 	snop  }
0x49: {  	[tilespmem:s19], [sflag:$0x4] =	stream.indirect_vreg.gather [hbm4b:s13+s7], $0x80, v10, vm0, $0xb8;
	[tilespmem:$0x10180] =	vst v63  }
0x4a: {  	_ = 	snop  }
0x4b: {  	[tilespmem:s20], [sflag:$0x4] =	stream.indirect_vreg.gather [hbm4b:s14+s7], $0x80, v10, vm0, $0xb8;
	[tilespmem:$0x10180] =	vst v63  }
0x4c: {  	_ =	swait.ge [sflag:s21], $0x4000  }
0x4d: {  	[sflag:s21] =	ssyncset.done $0x0  }
0x4e: {  	s18 =	sand.u32 $0x7, s7;
	[sflag:s21] =	ssyncadd.s32 $0xFFFFC000  }
0x4f: {  	s4 =	sshll.u32 s18, $0x4;
	_ =	swait.ge [sflag:s22], $0x4000  }
0x50: {  	s4 =	sadd.s32 $0x0, s4;
	[sflag:s22] =	ssyncset.done $0x0  }
0x51: {  	s4 =	sor.u32 $0x380, s4;
	[sflag:s22] =	ssyncadd.s32 $0xFFFFC000  }
0x52: {  	s26 =	sand.u32 $0x70, s7;
	s7 =	sand.u32 $0x3C00, s7;
	v10 =	vld [tilespmem:s4+$0x0]  }
0x53: {  	s7 =	sor.u32 s26, s7;
	v11 =	vld [tilespmem:s4+$0x8000]  }
0x54: {  	v12 =	vld [tilespmem:s7+$0x0]  }
0x55: {  	v13 =	vld [tilespmem:s7+$0x8000]  }
0x56: {  	v15 =	vld [tilespmem:s7+$0x80]  }
0x57: {  	v16 =	vld [tilespmem:s7+$0x8080]  }
0x58: {  	v17 =	vld [tilespmem:s7+$0x100]  }
0x59: {  	v18 =	vld [tilespmem:s7+$0x8100]  }
0x5a: {  	v14 =	vld [tilespmem:s7+$0x8180]  }
0x5b: {  	v10 =	vsub.f32 v10, v11;
	v11 =	vld [tilespmem:s7+$0x180];
	v12 =	vsub.f32 v12, v13  }
0x5c: {  	v15 =	vsub.f32 v15, v16;
	v13 =	vld [tilespmem:s7+$0x8200]  }
0x5d: {  	s15 =	simm.s32 $0x1;
	v19 =	vmul.f32 v10, v10;
	v10 =	vld [tilespmem:s7+$0x200];
	v20 =	vmul.f32 v12, v12  }
0x5e: {  	s28 =	simm.s32 $0x10;
	s18 =	simm.s32 $0x20;
	s16 =	sand.u32 $0x7, s15;
	v17 =	vsub.f32 v17, v18;
	v12 =	vld [tilespmem:s7+$0x280];
	v16 =	vmul.f32 v15, v15  }
0x5f: {  	s26 =	sshll.u32 s16, $0x4;
	s16 =	simm.s32 $0x80;
	s4 =	sand.u32 $0x70, s28;
	v15 =	vld [tilespmem:s7+$0x8280];
	v8 =	vadd.f32 v19, v8;
	v9 =	vadd.f32 v20, v9  }
.LBB2_3:
0x60: {  	p0 =	sne.s32 s18, $0x7F0;
	s26 =	sadd.s32 s26, s16;
	s28 =	sand.u32 $0x3C00, s16;
	v6 =	vadd.f32 v16, v6;
	v16 =	vmul.f32 v17, v17;
	v11 =	vsub.f32 v11, v14;
	v14 =	vld [tilespmem:s7+$0x300]  }
0x61: {  	s26 =	sor.u32 $0x380, s26;
	v17 =	vld [tilespmem:s7+$0x8300];
	s7 =	sor.u32 s4, s28  }
0x62: {  	v18 =	vld [tilespmem:s26+$0x0];
	v7 =	vadd.f32 v16, v7;
	v11 =	vmul.f32 v11, v11;
	v10 =	vsub.f32 v10, v13  }
0x63: {  	v13 =	vld [tilespmem:s26+$0x8000]  }
0x64: {  	v16 =	vld [tilespmem:s7+$0x0];
	v5 =	vadd.f32 v11, v5;
	v10 =	vmul.f32 v10, v10;
	v11 =	vsub.f32 v12, v15  }
0x65: {  	v12 =	vld [tilespmem:s7+$0x8000]  }
0x66: {  	v15 =	vld [tilespmem:s7+$0x80];
	v4 =	vadd.f32 v10, v4;
	v10 =	vmul.f32 v11, v11;
	v11 =	vsub.f32 v14, v17  }
0x67: {  	v17 =	vld [tilespmem:s7+$0x8080]  }
0x68: {  	v19 =	vld [tilespmem:s7+$0x100];
	v13 =	vsub.f32 v18, v13;
	v3 =	vadd.f32 v10, v3;
	v10 =	vmul.f32 v11, v11  }
0x69: {  	v18 =	vld [tilespmem:s7+$0x8100]  }
0x6a: {  	v12 =	vsub.f32 v16, v12;
	v11 =	vld [tilespmem:s7+$0x180];
	v13 =	vmul.f32 v13, v13;
	v2 =	vadd.f32 v10, v2  }
.Ltmp0:
0x6b: {  	v14 =	vld [tilespmem:s7+$0x8180];
	(pc) =	sbr.rel @p0 .LBB2_3-.Ltmp0, $4  }
0x6c: {  	v12 =	vmul.f32 v12, v12;
	v15 =	vsub.f32 v15, v17;
	v10 =	vld [tilespmem:s7+$0x200];
	v8 =	vadd.f32 v13, v8  }
0x6d: {  	s15 =	sadd.s32 $0x1, s15;
	v13 =	vld [tilespmem:s7+$0x8200]  }
0x6e: {  	s4 =	sand.u32 $0x70, s18;
	s26 =	sand.u32 $0x7, s15;
	v9 =	vadd.f32 v12, v9;
	v16 =	vmul.f32 v15, v15;
	v17 =	vsub.f32 v19, v18;
	v12 =	vld [tilespmem:s7+$0x280]  }
0x6f: {  	s16 =	sadd.s32 $0x80, s16;
	s18 =	sadd.s32 $0x10, s18;
	s26 =	sshll.u32 s26, $0x4;
	v15 =	vld [tilespmem:s7+$0x8280]  }
0x70: {  	s15 =	sadd.s32 s26, s16;
	v18 =	vld [tilespmem:s7+$0x300]  }
0x71: {  	v19 =	vld [tilespmem:s7+$0x8300];
	s28 =	sand.u32 $0x3C00, s16;
	s15 =	sor.u32 $0x380, s15  }
0x72: {  	s4 =	sor.u32 s4, s28;
	v20 =	vld [tilespmem:s15+$0x0]  }
0x73: {  	v22 =	vld [tilespmem:s4+$0x0]  }
0x74: {  	v23 =	vld [tilespmem:s4+$0x8000]  }
0x75: {  	v24 =	vld [tilespmem:s4+$0x80]  }
0x76: {  	v25 =	vld [tilespmem:s4+$0x8080]  }
0x77: {  	v26 =	vld [tilespmem:s4+$0x100]  }
0x78: {  	v27 =	vld [tilespmem:s4+$0x8100]  }
0x79: {  	v28 =	vld [tilespmem:s4+$0x180]  }
0x7a: {  	v29 =	vld [tilespmem:s4+$0x8180]  }
0x7b: {  	v30 =	vld [tilespmem:s4+$0x200]  }
0x7c: {  	p0 =	seq.s32 s25, $0xF;
	v31 =	vld [tilespmem:s4+$0x8200]  }
0x7d: {  	s7 =	sadd.s32 @!p0 s5, s6;
	v32 =	vld [tilespmem:s4+$0x280]  }
0x7e: {  	v33 =	vld [tilespmem:s4+$0x8280];
	s7 =	sshll.u32 @!p0 s7, $0x8  }
0x7f: {  	v34 =	vld [tilespmem:s4+$0x300];
	s7 =	sadd.s32 @!p0 s1, s7  }
0x80: {  	v35 =	vld [tilespmem:s4+$0x8300];
	s4 =	sadd.s32 @!p0 $0x1000, s7;
	s7 =	simm.s32 @!p0 $0x0  }
0x81: {  	v21 =	vld [tilespmem:s15+$0x8000];
	[tilespmem:s7], [sflag:$0x1] =	stream.linear.gather @!p0 [hbm4b:s4+s7], $0x4000, $0x38  }
0x82: {  	v36 =	vld.msk @!p0 [tilespmem:s6+$0x10010], $0xff;
	_ =	sdelay $0x4  }
0x83: {  	v37 =	vshll.u32 @!p0 v36, $0x4  }
0x84: {  	v38 =	vlaneseq.u32 @!p0;
	v36 =	vand.u32 @!p0 $0x7, v36;
	v37 =	vand.u32 @!p0 $0xFFFFFF80, v37  }
0x85: {  	v36 =	vor.u32 @!p0 v36, v37;
	v37 =	vand.u32 @!p0 $0x7, v38;
	v38 =	vshrl.u32 @!p0 v38, $0x3  }
0x86: {  	v36 =	vperm.xlane @!p0 v36, v37;
	v37 =	vmul.u32 @!p0 $0x8, v38;
	_ =	sdelay $0x1  }
0x87: {  	v36 =	vadd.s32 @!p0 v37, v36;
	_ =	sdelay $0x3  }
0x88: {  	vm1 =	vmmov @!p0 $0xffff;
	s4 =	simm.s32 @!p0 $0x8000  }
0x89: {  	[tilespmem:s4], [sflag:$0x3] =	stream.indirect_vreg.gather @!p0 [hbm4b:s3+s7], $0x80, v36, vm1, $0xb8;
	[tilespmem:$0x10180] =	vst v63  }
0x8a: {  	s4 =	simm.s32 @!p0 $0x8800  }
0x8b: {  	[tilespmem:s4], [sflag:$0x3] =	stream.indirect_vreg.gather @!p0 [hbm4b:s8+s7], $0x80, v36, vm1, $0xb8;
	[tilespmem:$0x10180] =	vst v63  }
0x8c: {  	s4 =	simm.s32 @!p0 $0x9000  }
0x8d: {  	[tilespmem:s4], [sflag:$0x3] =	stream.indirect_vreg.gather @!p0 [hbm4b:s9+s7], $0x80, v36, vm1, $0xb8;
	[tilespmem:$0x10180] =	vst v63  }
0x8e: {  	s4 =	simm.s32 @!p0 $0x9800  }
0x8f: {  	[tilespmem:s4], [sflag:$0x3] =	stream.indirect_vreg.gather @!p0 [hbm4b:s10+s7], $0x80, v36, vm1, $0xb8;
	[tilespmem:$0x10180] =	vst v63  }
0x90: {  	s4 =	simm.s32 @!p0 $0xA000  }
0x91: {  	[tilespmem:s4], [sflag:$0x3] =	stream.indirect_vreg.gather @!p0 [hbm4b:s11+s7], $0x80, v36, vm1, $0xb8;
	[tilespmem:$0x10180] =	vst v63  }
0x92: {  	s4 =	simm.s32 @!p0 $0xA800  }
0x93: {  	[tilespmem:s4], [sflag:$0x3] =	stream.indirect_vreg.gather @!p0 [hbm4b:s12+s7], $0x80, v36, vm1, $0xb8;
	[tilespmem:$0x10180] =	vst v63  }
0x94: {  	s4 =	simm.s32 @!p0 $0xB000  }
0x95: {  	[tilespmem:s4], [sflag:$0x3] =	stream.indirect_vreg.gather @!p0 [hbm4b:s13+s7], $0x80, v36, vm1, $0xb8;
	[tilespmem:$0x10180] =	vst v63  }
0x96: {  	s4 =	simm.s32 @!p0 $0xB800  }
0x97: {  	[tilespmem:s4], [sflag:$0x3] =	stream.indirect_vreg.gather @!p0 [hbm4b:s14+s7], $0x80, v36, vm1, $0xb8;
	[tilespmem:$0x10180] =	vst v63  }
0x98: {  	v11 =	vsub.f32 v11, v14;
	_ =	swait.ge [sflag:s23], $0x4000  }
0x99: {  	s7 =	simm.s32 $0x0;
	[sflag:s23] =	ssyncset.done $0x0  }
0x9a: {  	v11 =	vmul.f32 v11, v11;
	s15 =	sand.u32 $0x7, s7;
	[sflag:s23] =	ssyncadd.s32 $0xFFFFC000  }
0x9b: {  	v10 =	vsub.f32 v10, v13;
	s6 =	sshll.u32 s15, $0x4;
	_ =	swait.ge [sflag:s24], $0x4000  }
0x9c: {  	v14 =	vmul.f32 v17, v17;
	v11 =	vadd.f32 v11, v5;
	v5 =	vsub.f32 v12, v15;
	s6 =	sadd.s32 $0x0, s6;
	[sflag:s24] =	ssyncset.done $0x0  }
0x9d: {  	v6 =	vadd.f32 v16, v6;
	v10 =	vmul.f32 v10, v10;
	v12 =	vsub.f32 v18, v19;
	s16 =	sor.u32 $0x4380, s6;
	[sflag:s24] =	ssyncadd.s32 $0xFFFFC000  }
0x9e: {  	v7 =	vadd.f32 v14, v7;
	v5 =	vmul.f32 v5, v5;
	v13 =	vsub.f32 v20, v21;
	s18 =	sand.u32 $0x70, s7;
	s4 =	sand.u32 $0x3C00, s7;
	v14 =	vld [tilespmem:s16+$0x0]  }
0x9f: {  	v4 =	vadd.f32 v10, v4;
	v10 =	vsub.f32 v22, v23;
	v12 =	vmul.f32 v12, v12;
	s6 =	sor.u32 s18, s4;
	v15 =	vld [tilespmem:s16+$0x8000]  }
0xa0: {  	v16 =	vsub.f32 v24, v25;
	v18 =	vadd.f32 v5, v3;
	v13 =	vmul.f32 v13, v13;
	v17 =	vld [tilespmem:s6+$0x4000]  }
0xa1: {  	v5 =	vsub.f32 v26, v27;
	v3 =	vmul.f32 v10, v10;
	v59 =	vadd.f32 v12, v2;
	v19 =	vld [tilespmem:s6+$0xC000]  }
0xa2: {  	v2 =	vmul.f32 v16, v16;
	v10 =	vsub.f32 v28, v29;
	v60 =	vadd.f32 v13, v8;
	v8 =	vld [tilespmem:s6+$0x4080]  }
0xa3: {  	v16 =	vsub.f32 v34, v35;
	v9 =	vadd.f32 v3, v9;
	v3 =	vmul.f32 v5, v5;
	v13 =	vld [tilespmem:s6+$0xC080]  }
0xa4: {  	v5 =	vadd.f32 v2, v6;
	v2 =	vsub.f32 v30, v31;
	v61 =	vld [tilespmem:s6+$0x4100]  }
0xa5: {  	v6 =	vadd.f32 v3, v7;
	v3 =	vmul.f32 v10, v10;
	v7 =	vsub.f32 v32, v33;
	v62 =	vld [tilespmem:s6+$0xC100]  }
0xa6: {  	v16 =	vmul.f32 v16, v16;
	v63 =	vmul.f32 v2, v2;
	v10 =	vld [tilespmem:s6+$0x4180];
	v14 =	vsub.f32 v14, v15  }
0xa7: {  	v2 =	vadd.f32 v3, v11;
	v7 =	vmul.f32 v7, v7;
	v12 =	vld [tilespmem:s6+$0xC180];
	v15 =	vsub.f32 v17, v19  }
0xa8: {  	v3 =	vadd.f32 v63, v4;
	v11 =	vld [tilespmem:s6+$0x4200];
	v17 =	vsub.f32 v8, v13;
	v14 =	vmul.f32 v14, v14  }
0xa9: {  	v4 =	vadd.f32 v7, v18;
	s7 =	simm.s32 $0x1;
	v13 =	vld [tilespmem:s6+$0xC200];
	v8 =	vadd.f32 v16, v59;
	v15 =	vmul.f32 v15, v15  }
0xaa: {  	s26 =	simm.s32 $0x10;
	s28 =	sand.u32 $0x7, s7;
	s15 =	simm.s32 $0x80;
	v16 =	vmul.f32 v17, v17;
	v17 =	vsub.f32 v61, v62;
	v7 =	vadd.f32 v14, v60;
	v14 =	vld [tilespmem:s6+$0x4280]  }
0xab: {  	s4 =	sand.u32 $0x70, s26;
	s18 =	sshll.u32 s28, $0x4;
	s16 =	simm.s32 $0x20;
	v9 =	vadd.f32 v15, v9;
	v15 =	vld [tilespmem:s6+$0xC280]  }
.LBB2_5:
0xac: {  	p0 =	sne.s32 s16, $0x7F0;
	s18 =	sadd.s32 s18, s15;
	s26 =	sand.u32 $0x3C00, s15;
	v5 =	vadd.f32 v16, v5;
	v16 =	vmul.f32 v17, v17;
	v10 =	vsub.f32 v10, v12;
	v12 =	vld [tilespmem:s6+$0x4300]  }
0xad: {  	s18 =	sor.u32 $0x4380, s18;
	v17 =	vld [tilespmem:s6+$0xC300];
	s6 =	sor.u32 s4, s26  }
0xae: {  	v18 =	vld [tilespmem:s18+$0x0];
	v6 =	vadd.f32 v16, v6;
	v10 =	vmul.f32 v10, v10;
	v11 =	vsub.f32 v11, v13  }
0xaf: {  	v13 =	vld [tilespmem:s18+$0x8000]  }
0xb0: {  	v16 =	vld [tilespmem:s6+$0x4000];
	v2 =	vadd.f32 v10, v2;
	v10 =	vmul.f32 v11, v11;
	v11 =	vsub.f32 v14, v15  }
0xb1: {  	v14 =	vld [tilespmem:s6+$0xC000]  }
0xb2: {  	v15 =	vld [tilespmem:s6+$0x4080];
	v3 =	vadd.f32 v10, v3;
	v10 =	vmul.f32 v11, v11;
	v11 =	vsub.f32 v12, v17  }
0xb3: {  	v17 =	vld [tilespmem:s6+$0xC080]  }
0xb4: {  	v19 =	vld [tilespmem:s6+$0x4100];
	v12 =	vsub.f32 v18, v13;
	v4 =	vadd.f32 v10, v4;
	v11 =	vmul.f32 v11, v11  }
0xb5: {  	v18 =	vld [tilespmem:s6+$0xC100]  }
0xb6: {  	v13 =	vsub.f32 v16, v14;
	v10 =	vld [tilespmem:s6+$0x4180];
	v14 =	vmul.f32 v12, v12;
	v8 =	vadd.f32 v11, v8  }
.Ltmp1:
0xb7: {  	v12 =	vld [tilespmem:s6+$0xC180];
	(pc) =	sbr.rel @p0 .LBB2_5-.Ltmp1, $4  }
0xb8: {  	v16 =	vmul.f32 v13, v13;
	v15 =	vsub.f32 v15, v17;
	v11 =	vld [tilespmem:s6+$0x4200];
	v7 =	vadd.f32 v14, v7  }
0xb9: {  	s7 =	sadd.s32 $0x1, s7;
	v13 =	vld [tilespmem:s6+$0xC200]  }
0xba: {  	s4 =	sand.u32 $0x70, s16;
	s18 =	sand.u32 $0x7, s7;
	v9 =	vadd.f32 v16, v9;
	v16 =	vmul.f32 v15, v15;
	v17 =	vsub.f32 v19, v18;
	v14 =	vld [tilespmem:s6+$0x4280]  }
0xbb: {  	s15 =	sadd.s32 $0x80, s15;
	s16 =	sadd.s32 $0x10, s16;
	s18 =	sshll.u32 s18, $0x4;
	v15 =	vld [tilespmem:s6+$0xC280]  }
0xbc: {  	s7 =	sadd.s32 s18, s15;
	v18 =	vld [tilespmem:s6+$0x4300]  }
0xbd: {  	v19 =	vld [tilespmem:s6+$0xC300];
	s7 =	sor.u32 $0x4380, s7  }
0xbe: {  	s28 =	sand.u32 $0x3C00, s15;
	v20 =	vld [tilespmem:s7+$0x0]  }
0xbf: {  	s4 =	sor.u32 s4, s28;
	v21 =	vld [tilespmem:s7+$0x8000]  }
0xc0: {  	v22 =	vld [tilespmem:s4+$0x4000]  }
0xc1: {  	v23 =	vld [tilespmem:s4+$0xC000]  }
0xc2: {  	v24 =	vld [tilespmem:s4+$0x4080]  }
0xc3: {  	v25 =	vld [tilespmem:s4+$0xC080]  }
0xc4: {  	v26 =	vld [tilespmem:s4+$0x4100]  }
0xc5: {  	v27 =	vld [tilespmem:s4+$0xC100]  }
0xc6: {  	v28 =	vld [tilespmem:s4+$0x4180]  }
0xc7: {  	v17 =	vmul.f32 v17, v17;
	v29 =	vld [tilespmem:s4+$0xC180]  }
0xc8: {  	v10 =	vsub.f32 v10, v12;
	v53 =	vld [tilespmem:s4+$0x4200]  }
0xc9: {  	v54 =	vadd.f32 v17, v6;
	v6 =	vsub.f32 v11, v13;
	v11 =	vld [tilespmem:s4+$0xC200]  }
0xca: {  	v57 =	vld [tilespmem:s4+$0x4280];
	v10 =	vmul.f32 v10, v10;
	v55 =	vsub.f32 v14, v15  }
0xcb: {  	v5 =	vadd.f32 v16, v5;
	v59 =	vld [tilespmem:s4+$0xC280];
	v6 =	vmul.f32 v6, v6;
	v56 =	vsub.f32 v18, v19  }
0xcc: {  	v61 =	vld [tilespmem:s4+$0x4300];
	v2 =	vadd.f32 v10, v2;
	v13 =	vmul.f32 v55, v55;
	v60 =	vsub.f32 v22, v23  }
0xcd: {  	v10 =	vld [tilespmem:s4+$0xC300];
	v3 =	vadd.f32 v6, v3;
	v58 =	vsub.f32 v20, v21;
	v14 =	vmul.f32 v56, v56  }
0xce: {  	v62 =	vsub.f32 v24, v25;
	v13 =	vadd.f32 v13, v4;
	v4 =	vmul.f32 v60, v60  }
0xcf: {  	v11 =	vsub.f32 v53, v11;
	v6 =	vmul.f32 v58, v58;
	v14 =	vadd.f32 v14, v8  }
0xd0: {  	s25 =	sadd.s32 $0x1, s25;
	v9 =	vadd.f32 v4, v9;
	v4 =	vsub.f32 v26, v27  }
0xd1: {  	p0 =	sne.s32 s25, $0x10;
	v8 =	vadd.f32 v6, v7;
	v7 =	vsub.f32 v28, v29;
	v6 =	vmul.f32 v62, v62  }
.Ltmp2:
0xd2: {  	v63 =	vsub.f32 v57, v59;
	v10 =	vsub.f32 v61, v10;
	v4 =	vmul.f32 v4, v4;
	(pc) =	sbr.rel @p0 .LBB2_2-.Ltmp2, $4  }
0xd3: {  	v11 =	vmul.f32 v11, v11;
	v6 =	vadd.f32 v6, v5;
	v5 =	vmul.f32 v7, v7  }
0xd4: {  	v12 =	vmul.f32 v63, v63;
	v10 =	vmul.f32 v10, v10;
	v7 =	vadd.f32 v4, v54  }
0xd5: {  	v5 =	vadd.f32 v5, v2;
	v4 =	vadd.f32 v11, v3  }
0xd6: {  	v3 =	vadd.f32 v12, v13;
	v2 =	vadd.f32 v10, v14  }
0xd7: {  	v6 =	vadd.f32 v6, v9;
	_ =	sdelay $0x1  }
0xd8: {  	v6 =	vadd.f32 v7, v6;
	_ =	sdelay $0x1  }
0xd9: {  	v5 =	vadd.f32 v5, v6;
	_ =	sdelay $0x1  }
0xda: {  	v4 =	vadd.f32 v4, v5;
	_ =	sdelay $0x1  }
0xdb: {  	v3 =	vadd.f32 v3, v4;
	_ =	sdelay $0x1  }
0xdc: {  	v2 =	vadd.f32 v2, v3;
	_ =	sdelay $0x1  }
0xdd: {  	v2 =	vadd.f32 v8, v2  }
0xde: {  	s15 =	simm.s32 $0x0  }
0xdf: {  	s4 =	rddreg [dreg:$0x7];
	s6 =	simm.s32 $0x10100;
	s7 =	simm.s32 $0x5;
	[tilespmem:$0x10100] =	vst v2  }
0xe0: {  	[hbm4b:s4+s15] =	stream.linear.scatter [tilespmem:s6], [sflag:$0x5], $0x80, $0x38;
	[tilespmem:$0x10180] =	vst v63  }
0xe1: {  	_ =	swait.ge [sflag:s7], $0x80  }
0xe2: {  	s26 =	rddreg [dreg:$0x9]  }
0xe3: {  	s28 =	rddreg [dreg:$0x8];
	s6 =	sadd.s32 $0x1, s26  }
0xe4: {  	p0 =	sne.s32 s6, s28  }
.Ltmp3:
0xe5: {  	_ = 	snop;
	(pc) =	sbr.rel @p0 .LBB2_1-.Ltmp3, $3  }
0xe6: {  	_ =	sdelay $0x1  }
0xe7: {  	[sflag:s7] =	ssyncset.done $0x0  }
0xe8: {  	[sflag:s7] =	ssyncadd.s32 $0xFFFFFF80  }
0xe9: {  	_ =	sfence.sel $0x180000  }
0xea: {  	[bflag:$0x0] =	sbarrier.arrive $0xFFFF  }
0xeb: {  	_ =	strace $0x90000047  }
0xec: {  	s0 =	stileid.u32;
	[bflag:$0x2] =	sbarrier.arrive $0xFFFF  }
0xed: {  	p0 =	sne.s32 s0, $0x0;
	s0 =	rddreg [dreg:$0x4]  }
0xee: {  	s0 =	sadd.s32 @!p0 $0x100000, s0  }
0xef: {  	[sflag:s0] =	ssyncadd.tile.s32 @!p0 $0x1;
	_ =	shalt  }
.Lfunc_end2:
_tile_overlayer_lowered:
.L_overlay_start_2:
0xf0: {  	(tag) =	ssettag $0x2  }
0xf1: {  	s0 =	rddreg [dreg:$0x0];
	s2 =	stileid.u32  }
0xf2: {  	s1 =	rddreg [dreg:$0x1];
	p0 =	sne.s32 s2, $0x0  }
0xf3: {  	s3 =	rddreg [dreg:$0x2];
	[bflag:$0x3] =	sbarrier.arrive $0xFFFF;
	s2 =	simm.s32 @!p0 $0x1C05  }
0xf4: {  	[timem:s3], [sflag:s2] =	dma.local @!p0 [hbm:s0], s1  }
0xf5: {  	s0 =	simm.s32 @!p0 $0x5  }
0xf6: {  	_ =	swait.ge @!p0 [sflag:s0], s1  }
0xf7: {  	s1 =	ssub.s32 @!p0 $0x0, s1;
	[sflag:s0] =	ssyncset.done @!p0 $0x0  }
0xf8: {  	[sflag:s0] =	ssyncadd.s32 @!p0 s1  }
0xf9: {  	[bflag:$0x3] =	sbarrier.arrive $0xFFFF  }
0xfa: {  	_ =	shalt  }

</sc_bundles>
